<compile_context>
chip_gen: v7x
topology: tpu7x:2x2x1
jax: 0.10.2.dev20260603
libtpu: 0.0.44.dev20260713+nightly
codegen_flags: <defaults>
</compile_context>

<pallas_src>
import functools

import jax
from jax import lax
import jax.numpy as jnp
from jax.experimental import pallas as pl
from jax.experimental.pallas import tpu as pltpu
from jax.experimental.pallas import tpu_sc as plsc

D_MODEL = 768
CHUNK = 16
NBUF = 8
LOOKAHEAD = 4


def _embed_sc(tokens, W_E, B):
    n_rows, n_cols = tokens.shape
    info = plsc.get_sparse_core_info()
    nw = info.num_cores * info.num_subcores
    b_per_w = B // nw
    w_per_row = n_cols // b_per_w
    nchunks = b_per_w // CHUNK
    mesh = plsc.VectorSubcoreMesh(core_axis_name="core",
                                  subcore_axis_name="subcore")

    @functools.partial(
        pl.kernel,
        out_type=jax.ShapeDtypeStruct((B, D_MODEL), W_E.dtype),
        mesh=mesh,
        scratch_types=[
            pltpu.VMEM((b_per_w,), jnp.int32),
        ] + [pltpu.VMEM((CHUNK, D_MODEL), jnp.float32)] * NBUF
          + [pltpu.SemaphoreType.DMA] * (2 * NBUF),
    )
    def k(table_hbm, idx_hbm, out_hbm, idx_v, *scratch):
        bufs = scratch[:NBUF]
        gsems = scratch[NBUF:2 * NBUF]
        ssems = scratch[2 * NBUF:]
        wid = (lax.axis_index("subcore") * info.num_cores
               + lax.axis_index("core"))
        base = wid * b_per_w
        pltpu.sync_copy(
            idx_hbm.at[wid // w_per_row,
                       pl.ds((wid % w_per_row) * b_per_w, b_per_w)],
            idx_v)

        def gather(c, s):
            return pltpu.make_async_copy(
                table_hbm.at[idx_v.at[pl.ds(c * CHUNK, CHUNK)]],
                bufs[s], gsems[s])

        def store(c, s):
            return pltpu.make_async_copy(
                bufs[s], out_hbm.at[pl.ds(base + c * CHUNK, CHUNK)],
                ssems[s])

        for s in range(NBUF):
            gather(s, s).start()

        @pl.loop(0, nchunks, step=NBUF)
        def _(c):
            for s in range(NBUF):
                cc = c + s
                gather(cc, s).wait()
                store(cc, s).start()
                jj = cc - (NBUF - LOOKAHEAD)
                sj = (s - (NBUF - LOOKAHEAD)) % NBUF

                @pl.when(jnp.logical_and(jj >= 0, jj + NBUF < nchunks))
                def _():
                    store(jj, sj).wait()
                    gather(jj + NBUF, sj).start()

        for s in range(NBUF):
            store(nchunks - NBUF + s, s).wait()

    return k(W_E, tokens)


def kernel(tokens, W_E):
    n_batch, seq = tokens.shape
    B = n_batch * seq
    out = _embed_sc(tokens, W_E, B)
    return out.reshape(n_batch, seq, D_MODEL)

# --- scband reference (transcript-rebuilt; emitter-appended) ---
"""Pipeline reference for scband-embed-74071005987468 (READ-ONLY COPY).

The authoritative reference and input builder live on the scoring server;
editing this copy changes nothing except your own understanding.
"""

import jax, jax.numpy as jnp
import numpy as np

D_VOCAB = 50257
D_MODEL = 768
INIT_RANGE = 0.02


def setup_inputs(seed: int = 0) -> dict:
    key = jax.random.key(seed)
    k_tok, k_w = jax.random.split(key)
    tokens = jax.random.randint(k_tok, (4, 8192), 0, D_VOCAB, dtype=jnp.int32)
    W_E = jax.random.normal(k_w, (D_VOCAB, D_MODEL), dtype=jnp.float32) * INIT_RANGE
    return {"tokens": tokens, "W_E": W_E}


def reference(tokens, W_E):
    # Faithful translation of: return self.W_E[tokens]
    # gather rows of the embedding table by token id
    return jnp.take(W_E, tokens, axis=0)

if __name__ == "__main__":
    import jax
    _d = setup_inputs()
    print(jax.jit(kernel)(*tuple(_d.values())))

</pallas_src>

<mosaic_0001>
#map = affine_map<(d0, d1) -> (0, 0)>
module attributes {stable_mosaic.version = 14 : i64} {
  func.func @k(%arg0: i32, %arg1: i32, %arg2: memref<50257x768xf32, #tpu.memory_space<hbm>>, %arg3: memref<4x8192xi32, #tpu.memory_space<hbm>>, %arg4: memref<32768x768xf32, #tpu.memory_space<hbm>>, %arg5: memref<1024xi32, #tpu.memory_space<vmem>>, %arg6: memref<16x768xf32, #tpu.memory_space<vmem>>, %arg7: memref<16x768xf32, #tpu.memory_space<vmem>>, %arg8: memref<16x768xf32, #tpu.memory_space<vmem>>, %arg9: memref<16x768xf32, #tpu.memory_space<vmem>>, %arg10: memref<16x768xf32, #tpu.memory_space<vmem>>, %arg11: memref<16x768xf32, #tpu.memory_space<vmem>>, %arg12: memref<16x768xf32, #tpu.memory_space<vmem>>, %arg13: memref<16x768xf32, #tpu.memory_space<vmem>>, %arg14: memref<!tpu.dma_semaphore, #tpu.memory_space<semaphore_mem>>, %arg15: memref<!tpu.dma_semaphore, #tpu.memory_space<semaphore_mem>>, %arg16: memref<!tpu.dma_semaphore, #tpu.memory_space<semaphore_mem>>, %arg17: memref<!tpu.dma_semaphore, #tpu.memory_space<semaphore_mem>>, %arg18: memref<!tpu.dma_semaphore, #tpu.memory_space<semaphore_mem>>, %arg19: memref<!tpu.dma_semaphore, #tpu.memory_space<semaphore_mem>>, %arg20: memref<!tpu.dma_semaphore, #tpu.memory_space<semaphore_mem>>, %arg21: memref<!tpu.dma_semaphore, #tpu.memory_space<semaphore_mem>>, %arg22: memref<!tpu.dma_semaphore, #tpu.memory_space<semaphore_mem>>, %arg23: memref<!tpu.dma_semaphore, #tpu.memory_space<semaphore_mem>>, %arg24: memref<!tpu.dma_semaphore, #tpu.memory_space<semaphore_mem>>, %arg25: memref<!tpu.dma_semaphore, #tpu.memory_space<semaphore_mem>>, %arg26: memref<!tpu.dma_semaphore, #tpu.memory_space<semaphore_mem>>, %arg27: memref<!tpu.dma_semaphore, #tpu.memory_space<semaphore_mem>>, %arg28: memref<!tpu.dma_semaphore, #tpu.memory_space<semaphore_mem>>, %arg29: memref<!tpu.dma_semaphore, #tpu.memory_space<semaphore_mem>>) attributes {dimension_semantics = [#tpu.dimension_semantics<core_parallel>, #tpu.dimension_semantics<subcore_parallel>], iteration_bounds = array<i64: 2, 16>, scalar_prefetch = 0 : i64, scratch_operands = 25 : i64, tpu.core_type = #tpu.core_type<sc_vector_subcore>, window_params = [{transform_indices = #map}, {transform_indices = #map}, {transform_indices = #map}]} {
    %mul3A = arith.constant 2 : i32
    %mul3A_0 = arith.muli %arg1, %mul3A : i32
    %add3A = arith.addi %mul3A_0, %arg0 : i32
    %mul3A_1 = arith.constant 1024 : i32
    %mul3A_2 = arith.muli %add3A, %mul3A_1 : i32
    %jit3A = arith.constant 8 : i32
    %div3A = arith.divsi %add3A, %jit3A : i32
    %sign3A = arith.constant 0 : i32
    %sign3A_3 = arith.cmpi sgt, %add3A, %sign3A : i32
    %sign3A_4 = arith.extui %sign3A_3 : i1 to i32
    %sign3A_5 = arith.constant 0 : i32
    %sign3A_6 = arith.cmpi slt, %add3A, %sign3A_5 : i32
    %sign3A_7 = arith.extui %sign3A_6 : i1 to i32
    %sign3A_8 = arith.subi %sign3A_4, %sign3A_7 : i32
    %sign3A_9 = arith.constant 0 : i32
    %sign3A_10 = arith.cmpi sgt, %jit3A, %sign3A_9 : i32
    %sign3A_11 = arith.extui %sign3A_10 : i1 to i32
    %sign3A_12 = arith.constant 0 : i32
    %sign3A_13 = arith.cmpi slt, %jit3A, %sign3A_12 : i32
    %sign3A_14 = arith.extui %sign3A_13 : i1 to i32
    %sign3A_15 = arith.subi %sign3A_11, %sign3A_14 : i32
    %ne3A = arith.cmpi ne, %sign3A_8, %sign3A_15 : i32
    %rem3A = arith.remsi %add3A, %jit3A : i32
    %ne3A_16 = arith.constant 0 : i32
    %ne3A_17 = arith.cmpi ne, %rem3A, %ne3A_16 : i32
    %and3A = arith.andi %ne3A, %ne3A_17 : i1
    %sub3A = arith.constant 1 : i32
    %sub3A_18 = arith.subi %div3A, %sub3A : i32
    %select_n3A = arith.select %and3A, %sub3A_18, %div3A : i32
    %jit3A_19 = arith.constant 8 : i32
    %eq3A = arith.constant 0 : i32
    %eq3A_20 = arith.cmpi eq, %jit3A_19, %eq3A : i32
    %jit3A_21 = arith.constant 1 : i32
    %select_n3A_22 = arith.select %eq3A_20, %jit3A_21, %jit3A_19 : i32
    %rem3A_23 = arith.remsi %add3A, %select_n3A_22 : i32
    %ne3A_24 = arith.constant 0 : i32
    %ne3A_25 = arith.cmpi ne, %rem3A_23, %ne3A_24 : i32
    %lt3A = arith.constant 0 : i32
    %lt3A_26 = arith.cmpi slt, %rem3A_23, %lt3A : i32
    %lt3A_27 = arith.constant 0 : i32
    %lt3A_28 = arith.cmpi slt, %select_n3A_22, %lt3A_27 : i32
    %ne3A_29 = arith.xori %lt3A_26, %lt3A_28 : i1
    %and3A_30 = arith.andi %ne3A_29, %ne3A_25 : i1
    %add3A_31 = arith.addi %rem3A_23, %select_n3A_22 : i32
    %select_n3A_32 = arith.select %and3A_30, %add3A_31, %rem3A_23 : i32
    %mul3A_33 = arith.constant 1024 : i32
    %mul3A_34 = arith.muli %select_n3A_32, %mul3A_33 : i32
    "tpu.region"() ({
      %run_scoped3A = tpu.sem_alloc : memref<!tpu.dma_semaphore, #tpu.memory_space<semaphore_mem>>
      %dma_start3A_125 = tpu.memref_slice %arg3[%select_n3A, %mul3A_34] : memref<4x8192xi32, #tpu.memory_space<hbm>> -> memref<1x1024xi32, #tpu.memory_space<hbm>>
      %dma_start3A_126 = tpu.memref_squeeze %dma_start3A_125 : memref<1x1024xi32, #tpu.memory_space<hbm>> -> memref<1024xi32, #tpu.memory_space<hbm>>
      %dma_start3A_127 = tpu.memref_slice %arg3[%select_n3A, %mul3A_34] : memref<4x8192xi32, #tpu.memory_space<hbm>> -> memref<1x1024xi32, #tpu.memory_space<hbm>>
      %dma_start3A_128 = tpu.memref_squeeze %dma_start3A_127 : memref<1x1024xi32, #tpu.memory_space<hbm>> -> memref<1024xi32, #tpu.memory_space<hbm>>
      tpu.enqueue_dma source(%dma_start3A_128 : memref<1024xi32, #tpu.memory_space<hbm>>) target(%arg5 : memref<1024xi32, #tpu.memory_space<vmem>>) target_semaphore(%run_scoped3A : memref<!tpu.dma_semaphore, #tpu.memory_space<semaphore_mem>>)
      %dma_wait3A_129 = tpu.memref_slice %arg3[%select_n3A, %mul3A_34] : memref<4x8192xi32, #tpu.memory_space<hbm>> -> memref<1x1024xi32, #tpu.memory_space<hbm>>
      %dma_wait3A_130 = tpu.memref_squeeze %dma_wait3A_129 : memref<1x1024xi32, #tpu.memory_space<hbm>> -> memref<1024xi32, #tpu.memory_space<hbm>>
      %dma_wait3A_131 = tpu.memref_slice %arg3[%select_n3A, %mul3A_34] : memref<4x8192xi32, #tpu.memory_space<hbm>> -> memref<1x1024xi32, #tpu.memory_space<hbm>>
      %dma_wait3A_132 = tpu.memref_squeeze %dma_wait3A_131 : memref<1x1024xi32, #tpu.memory_space<hbm>> -> memref<1024xi32, #tpu.memory_space<hbm>>
      tpu.wait_dma2 semaphore(%run_scoped3A : memref<!tpu.dma_semaphore, #tpu.memory_space<semaphore_mem>>) src(%dma_wait3A_132 : memref<1024xi32, #tpu.memory_space<hbm>>) dst(%arg5 : memref<1024xi32, #tpu.memory_space<vmem>>)
      tpu.yield
    }) : () -> ()
    %dma_start3A = arith.constant 0 : i32
    %dma_start3A_35 = tpu.memref_slice %arg5[%dma_start3A] : memref<1024xi32, #tpu.memory_space<vmem>> -> memref<16xi32, #tpu.memory_space<vmem>>
    %dma_start3A_36 = arith.constant 0 : i32
    %dma_start3A_37 = arith.constant 0 : i32
    %dma_start3A_38 = tpu.memref_slice %arg2[%dma_start3A_36, %dma_start3A_37] : memref<50257x768xf32, #tpu.memory_space<hbm>> -> memref<50257x768xf32, #tpu.memory_space<hbm>>
    tpu.enqueue_indirect_dma source(%dma_start3A_38 : memref<50257x768xf32, #tpu.memory_space<hbm>>) target(%arg6 : memref<16x768xf32, #tpu.memory_space<vmem>>) offsets(%dma_start3A_35 : memref<16xi32, #tpu.memory_space<vmem>>) semaphore(%arg14 : memref<!tpu.dma_semaphore, #tpu.memory_space<semaphore_mem>>)
    %dma_start3A_39 = arith.constant 16 : i32
    %dma_start3A_40 = tpu.memref_slice %arg5[%dma_start3A_39] : memref<1024xi32, #tpu.memory_space<vmem>> -> memref<16xi32, #tpu.memory_space<vmem>>
    %dma_start3A_41 = arith.constant 0 : i32
    %dma_start3A_42 = arith.constant 0 : i32
    %dma_start3A_43 = tpu.memref_slice %arg2[%dma_start3A_41, %dma_start3A_42] : memref<50257x768xf32, #tpu.memory_space<hbm>> -> memref<50257x768xf32, #tpu.memory_space<hbm>>
    tpu.enqueue_indirect_dma source(%dma_start3A_43 : memref<50257x768xf32, #tpu.memory_space<hbm>>) target(%arg7 : memref<16x768xf32, #tpu.memory_space<vmem>>) offsets(%dma_start3A_40 : memref<16xi32, #tpu.memory_space<vmem>>) semaphore(%arg15 : memref<!tpu.dma_semaphore, #tpu.memory_space<semaphore_mem>>)
    %dma_start3A_44 = arith.constant 32 : i32
    %dma_start3A_45 = tpu.memref_slice %arg5[%dma_start3A_44] : memref<1024xi32, #tpu.memory_space<vmem>> -> memref<16xi32, #tpu.memory_space<vmem>>
    %dma_start3A_46 = arith.constant 0 : i32
    %dma_start3A_47 = arith.constant 0 : i32
    %dma_start3A_48 = tpu.memref_slice %arg2[%dma_start3A_46, %dma_start3A_47] : memref<50257x768xf32, #tpu.memory_space<hbm>> -> memref<50257x768xf32, #tpu.memory_space<hbm>>
    tpu.enqueue_indirect_dma source(%dma_start3A_48 : memref<50257x768xf32, #tpu.memory_space<hbm>>) target(%arg8 : memref<16x768xf32, #tpu.memory_space<vmem>>) offsets(%dma_start3A_45 : memref<16xi32, #tpu.memory_space<vmem>>) semaphore(%arg16 : memref<!tpu.dma_semaphore, #tpu.memory_space<semaphore_mem>>)
    %dma_start3A_49 = arith.constant 48 : i32
    %dma_start3A_50 = tpu.memref_slice %arg5[%dma_start3A_49] : memref<1024xi32, #tpu.memory_space<vmem>> -> memref<16xi32, #tpu.memory_space<vmem>>
    %dma_start3A_51 = arith.constant 0 : i32
    %dma_start3A_52 = arith.constant 0 : i32
    %dma_start3A_53 = tpu.memref_slice %arg2[%dma_start3A_51, %dma_start3A_52] : memref<50257x768xf32, #tpu.memory_space<hbm>> -> memref<50257x768xf32, #tpu.memory_space<hbm>>
    tpu.enqueue_indirect_dma source(%dma_start3A_53 : memref<50257x768xf32, #tpu.memory_space<hbm>>) target(%arg9 : memref<16x768xf32, #tpu.memory_space<vmem>>) offsets(%dma_start3A_50 : memref<16xi32, #tpu.memory_space<vmem>>) semaphore(%arg17 : memref<!tpu.dma_semaphore, #tpu.memory_space<semaphore_mem>>)
    %dma_start3A_54 = arith.constant 64 : i32
    %dma_start3A_55 = tpu.memref_slice %arg5[%dma_start3A_54] : memref<1024xi32, #tpu.memory_space<vmem>> -> memref<16xi32, #tpu.memory_space<vmem>>
    %dma_start3A_56 = arith.constant 0 : i32
    %dma_start3A_57 = arith.constant 0 : i32
    %dma_start3A_58 = tpu.memref_slice %arg2[%dma_start3A_56, %dma_start3A_57] : memref<50257x768xf32, #tpu.memory_space<hbm>> -> memref<50257x768xf32, #tpu.memory_space<hbm>>
    tpu.enqueue_indirect_dma source(%dma_start3A_58 : memref<50257x768xf32, #tpu.memory_space<hbm>>) target(%arg10 : memref<16x768xf32, #tpu.memory_space<vmem>>) offsets(%dma_start3A_55 : memref<16xi32, #tpu.memory_space<vmem>>) semaphore(%arg18 : memref<!tpu.dma_semaphore, #tpu.memory_space<semaphore_mem>>)
    %dma_start3A_59 = arith.constant 80 : i32
    %dma_start3A_60 = tpu.memref_slice %arg5[%dma_start3A_59] : memref<1024xi32, #tpu.memory_space<vmem>> -> memref<16xi32, #tpu.memory_space<vmem>>
    %dma_start3A_61 = arith.constant 0 : i32
    %dma_start3A_62 = arith.constant 0 : i32
    %dma_start3A_63 = tpu.memref_slice %arg2[%dma_start3A_61, %dma_start3A_62] : memref<50257x768xf32, #tpu.memory_space<hbm>> -> memref<50257x768xf32, #tpu.memory_space<hbm>>
    tpu.enqueue_indirect_dma source(%dma_start3A_63 : memref<50257x768xf32, #tpu.memory_space<hbm>>) target(%arg11 : memref<16x768xf32, #tpu.memory_space<vmem>>) offsets(%dma_start3A_60 : memref<16xi32, #tpu.memory_space<vmem>>) semaphore(%arg19 : memref<!tpu.dma_semaphore, #tpu.memory_space<semaphore_mem>>)
    %dma_start3A_64 = arith.constant 96 : i32
    %dma_start3A_65 = tpu.memref_slice %arg5[%dma_start3A_64] : memref<1024xi32, #tpu.memory_space<vmem>> -> memref<16xi32, #tpu.memory_space<vmem>>
    %dma_start3A_66 = arith.constant 0 : i32
    %dma_start3A_67 = arith.constant 0 : i32
    %dma_start3A_68 = tpu.memref_slice %arg2[%dma_start3A_66, %dma_start3A_67] : memref<50257x768xf32, #tpu.memory_space<hbm>> -> memref<50257x768xf32, #tpu.memory_space<hbm>>
    tpu.enqueue_indirect_dma source(%dma_start3A_68 : memref<50257x768xf32, #tpu.memory_space<hbm>>) target(%arg12 : memref<16x768xf32, #tpu.memory_space<vmem>>) offsets(%dma_start3A_65 : memref<16xi32, #tpu.memory_space<vmem>>) semaphore(%arg20 : memref<!tpu.dma_semaphore, #tpu.memory_space<semaphore_mem>>)
    %dma_start3A_69 = arith.constant 112 : i32
    %dma_start3A_70 = tpu.memref_slice %arg5[%dma_start3A_69] : memref<1024xi32, #tpu.memory_space<vmem>> -> memref<16xi32, #tpu.memory_space<vmem>>
    %dma_start3A_71 = arith.constant 0 : i32
    %dma_start3A_72 = arith.constant 0 : i32
    %dma_start3A_73 = tpu.memref_slice %arg2[%dma_start3A_71, %dma_start3A_72] : memref<50257x768xf32, #tpu.memory_space<hbm>> -> memref<50257x768xf32, #tpu.memory_space<hbm>>
    tpu.enqueue_indirect_dma source(%dma_start3A_73 : memref<50257x768xf32, #tpu.memory_space<hbm>>) target(%arg13 : memref<16x768xf32, #tpu.memory_space<vmem>>) offsets(%dma_start3A_70 : memref<16xi32, #tpu.memory_space<vmem>>) semaphore(%arg21 : memref<!tpu.dma_semaphore, #tpu.memory_space<semaphore_mem>>)
    %scan3A = arith.constant 0 : i32
    %scan3A_74 = arith.constant 8 : i32
    %scan3A_75 = arith.addi %scan3A, %scan3A_74 : i32
    %scan3A_76 = arith.constant 1 : i32
    scf.for %scan3A_125 = %scan3A to %scan3A_75 step %scan3A_76  : i32 {
      %mul3A_126 = arith.constant 8 : i32
      %mul3A_127 = arith.muli %scan3A_125, %mul3A_126 : i32
      %add3A_128 = arith.constant 0 : i32
      %add3A_129 = arith.addi %add3A_128, %mul3A_127 : i32
      %add3A_130 = arith.constant 0 : i32
      %add3A_131 = arith.addi %add3A_129, %add3A_130 : i32
      %mul3A_132 = arith.constant 16 : i32
      %mul3A_133 = arith.muli %add3A_131, %mul3A_132 : i32
      %dma_wait3A_134 = tpu.memref_slice %arg5[%mul3A_133] : memref<1024xi32, #tpu.memory_space<vmem>> -> memref<16xi32, #tpu.memory_space<vmem>>
      %dma_wait3A_135 = arith.constant 0 : i32
      %dma_wait3A_136 = arith.constant 0 : i32
      %dma_wait3A_137 = tpu.memref_slice %arg2[%dma_wait3A_135, %dma_wait3A_136] : memref<50257x768xf32, #tpu.memory_space<hbm>> -> memref<50257x768xf32, #tpu.memory_space<hbm>>
      tpu.wait_indirect_dma semaphore(%arg14 : memref<!tpu.dma_semaphore, #tpu.memory_space<semaphore_mem>>) src(%dma_wait3A_137 : memref<50257x768xf32, #tpu.memory_space<hbm>>) dst(%arg6 : memref<16x768xf32, #tpu.memory_space<vmem>>)
      %mul3A_138 = arith.constant 16 : i32
      %mul3A_139 = arith.muli %add3A_131, %mul3A_138 : i32
      %add3A_140 = arith.addi %mul3A_2, %mul3A_139 : i32
      %dma_start3A_141 = arith.constant 0 : i32
      %dma_start3A_142 = tpu.memref_slice %arg4[%add3A_140, %dma_start3A_141] : memref<32768x768xf32, #tpu.memory_space<hbm>> -> memref<16x768xf32, #tpu.memory_space<hbm>>
      %dma_start3A_143 = arith.constant 0 : i32
      %dma_start3A_144 = tpu.memref_slice %arg4[%add3A_140, %dma_start3A_143] : memref<32768x768xf32, #tpu.memory_space<hbm>> -> memref<16x768xf32, #tpu.memory_space<hbm>>
      tpu.enqueue_dma source(%arg6 : memref<16x768xf32, #tpu.memory_space<vmem>>) target(%dma_start3A_144 : memref<16x768xf32, #tpu.memory_space<hbm>>) target_semaphore(%arg22 : memref<!tpu.dma_semaphore, #tpu.memory_space<semaphore_mem>>)
      %sub3A_145 = arith.constant 4 : i32
      %sub3A_146 = arith.subi %add3A_131, %sub3A_145 : i32
      %ge3A = arith.constant 0 : i32
      %ge3A_147 = arith.cmpi sge, %sub3A_146, %ge3A : i32
      %add3A_148 = arith.constant 8 : i32
      %add3A_149 = arith.addi %sub3A_146, %add3A_148 : i32
      %lt3A_150 = arith.constant 64 : i32
      %lt3A_151 = arith.cmpi slt, %add3A_149, %lt3A_150 : i32
      %and3A_152 = arith.andi %ge3A_147, %lt3A_151 : i1
      %convert_element_type3A = arith.extui %and3A_152 : i1 to i32
      %cond3A = arith.constant 0 : i32
      %cond3A_153 = arith.cmpi ne, %convert_element_type3A, %cond3A : i32
      scf.if %cond3A_153 {
        %mul3A_343 = arith.constant 16 : i32
        %mul3A_344 = arith.muli %sub3A_146, %mul3A_343 : i32
        %add3A_345 = arith.addi %mul3A_2, %mul3A_344 : i32
        %dma_wait3A_346 = arith.constant 0 : i32
        %dma_wait3A_347 = tpu.memref_slice %arg4[%add3A_345, %dma_wait3A_346] : memref<32768x768xf32, #tpu.memory_space<hbm>> -> memref<16x768xf32, #tpu.memory_space<hbm>>
        %dma_wait3A_348 = arith.constant 0 : i32
        %dma_wait3A_349 = tpu.memref_slice %arg4[%add3A_345, %dma_wait3A_348] : memref<32768x768xf32, #tpu.memory_space<hbm>> -> memref<16x768xf32, #tpu.memory_space<hbm>>
        tpu.wait_dma2 semaphore(%arg26 : memref<!tpu.dma_semaphore, #tpu.memory_space<semaphore_mem>>) src(%arg10 : memref<16x768xf32, #tpu.memory_space<vmem>>) dst(%dma_wait3A_349 : memref<16x768xf32, #tpu.memory_space<hbm>>)
        %add3A_350 = arith.constant 8 : i32
        %add3A_351 = arith.addi %sub3A_146, %add3A_350 : i32
        %mul3A_352 = arith.constant 16 : i32
        %mul3A_353 = arith.muli %add3A_351, %mul3A_352 : i32
        %dma_start3A_354 = tpu.memref_slice %arg5[%mul3A_353] : memref<1024xi32, #tpu.memory_space<vmem>> -> memref<16xi32, #tpu.memory_space<vmem>>
        %dma_start3A_355 = arith.constant 0 : i32
        %dma_start3A_356 = arith.constant 0 : i32
        %dma_start3A_357 = tpu.memref_slice %arg2[%dma_start3A_355, %dma_start3A_356] : memref<50257x768xf32, #tpu.memory_space<hbm>> -> memref<50257x768xf32, #tpu.memory_space<hbm>>
        tpu.enqueue_indirect_dma source(%dma_start3A_357 : memref<50257x768xf32, #tpu.memory_space<hbm>>) target(%arg10 : memref<16x768xf32, #tpu.memory_space<vmem>>) offsets(%dma_start3A_354 : memref<16xi32, #tpu.memory_space<vmem>>) semaphore(%arg18 : memref<!tpu.dma_semaphore, #tpu.memory_space<semaphore_mem>>)
      } else {
      }
      %add3A_154 = arith.constant 1 : i32
      %add3A_155 = arith.addi %add3A_129, %add3A_154 : i32
      %mul3A_156 = arith.constant 16 : i32
      %mul3A_157 = arith.muli %add3A_155, %mul3A_156 : i32
      %dma_wait3A_158 = tpu.memref_slice %arg5[%mul3A_157] : memref<1024xi32, #tpu.memory_space<vmem>> -> memref<16xi32, #tpu.memory_space<vmem>>
      %dma_wait3A_159 = arith.constant 0 : i32
      %dma_wait3A_160 = arith.constant 0 : i32
      %dma_wait3A_161 = tpu.memref_slice %arg2[%dma_wait3A_159, %dma_wait3A_160] : memref<50257x768xf32, #tpu.memory_space<hbm>> -> memref<50257x768xf32, #tpu.memory_space<hbm>>
      tpu.wait_indirect_dma semaphore(%arg15 : memref<!tpu.dma_semaphore, #tpu.memory_space<semaphore_mem>>) src(%dma_wait3A_161 : memref<50257x768xf32, #tpu.memory_space<hbm>>) dst(%arg7 : memref<16x768xf32, #tpu.memory_space<vmem>>)
      %mul3A_162 = arith.constant 16 : i32
      %mul3A_163 = arith.muli %add3A_155, %mul3A_162 : i32
      %add3A_164 = arith.addi %mul3A_2, %mul3A_163 : i32
      %dma_start3A_165 = arith.constant 0 : i32
      %dma_start3A_166 = tpu.memref_slice %arg4[%add3A_164, %dma_start3A_165] : memref<32768x768xf32, #tpu.memory_space<hbm>> -> memref<16x768xf32, #tpu.memory_space<hbm>>
      %dma_start3A_167 = arith.constant 0 : i32
      %dma_start3A_168 = tpu.memref_slice %arg4[%add3A_164, %dma_start3A_167] : memref<32768x768xf32, #tpu.memory_space<hbm>> -> memref<16x768xf32, #tpu.memory_space<hbm>>
      tpu.enqueue_dma source(%arg7 : memref<16x768xf32, #tpu.memory_space<vmem>>) target(%dma_start3A_168 : memref<16x768xf32, #tpu.memory_space<hbm>>) target_semaphore(%arg23 : memref<!tpu.dma_semaphore, #tpu.memory_space<semaphore_mem>>)
      %sub3A_169 = arith.constant 4 : i32
      %sub3A_170 = arith.subi %add3A_155, %sub3A_169 : i32
      %ge3A_171 = arith.constant 0 : i32
      %ge3A_172 = arith.cmpi sge, %sub3A_170, %ge3A_171 : i32
      %add3A_173 = arith.constant 8 : i32
      %add3A_174 = arith.addi %sub3A_170, %add3A_173 : i32
      %lt3A_175 = arith.constant 64 : i32
      %lt3A_176 = arith.cmpi slt, %add3A_174, %lt3A_175 : i32
      %and3A_177 = arith.andi %ge3A_172, %lt3A_176 : i1
      %convert_element_type3A_178 = arith.extui %and3A_177 : i1 to i32
      %cond3A_179 = arith.constant 0 : i32
      %cond3A_180 = arith.cmpi ne, %convert_element_type3A_178, %cond3A_179 : i32
      scf.if %cond3A_180 {
        %mul3A_343 = arith.constant 16 : i32
        %mul3A_344 = arith.muli %sub3A_170, %mul3A_343 : i32
        %add3A_345 = arith.addi %mul3A_2, %mul3A_344 : i32
        %dma_wait3A_346 = arith.constant 0 : i32
        %dma_wait3A_347 = tpu.memref_slice %arg4[%add3A_345, %dma_wait3A_346] : memref<32768x768xf32, #tpu.memory_space<hbm>> -> memref<16x768xf32, #tpu.memory_space<hbm>>
        %dma_wait3A_348 = arith.constant 0 : i32
        %dma_wait3A_349 = tpu.memref_slice %arg4[%add3A_345, %dma_wait3A_348] : memref<32768x768xf32, #tpu.memory_space<hbm>> -> memref<16x768xf32, #tpu.memory_space<hbm>>
        tpu.wait_dma2 semaphore(%arg27 : memref<!tpu.dma_semaphore, #tpu.memory_space<semaphore_mem>>) src(%arg11 : memref<16x768xf32, #tpu.memory_space<vmem>>) dst(%dma_wait3A_349 : memref<16x768xf32, #tpu.memory_space<hbm>>)
        %add3A_350 = arith.constant 8 : i32
        %add3A_351 = arith.addi %sub3A_170, %add3A_350 : i32
        %mul3A_352 = arith.constant 16 : i32
        %mul3A_353 = arith.muli %add3A_351, %mul3A_352 : i32
        %dma_start3A_354 = tpu.memref_slice %arg5[%mul3A_353] : memref<1024xi32, #tpu.memory_space<vmem>> -> memref<16xi32, #tpu.memory_space<vmem>>
        %dma_start3A_355 = arith.constant 0 : i32
        %dma_start3A_356 = arith.constant 0 : i32
        %dma_start3A_357 = tpu.memref_slice %arg2[%dma_start3A_355, %dma_start3A_356] : memref<50257x768xf32, #tpu.memory_space<hbm>> -> memref<50257x768xf32, #tpu.memory_space<hbm>>
        tpu.enqueue_indirect_dma source(%dma_start3A_357 : memref<50257x768xf32, #tpu.memory_space<hbm>>) target(%arg11 : memref<16x768xf32, #tpu.memory_space<vmem>>) offsets(%dma_start3A_354 : memref<16xi32, #tpu.memory_space<vmem>>) semaphore(%arg19 : memref<!tpu.dma_semaphore, #tpu.memory_space<semaphore_mem>>)
      } else {
      }
      %add3A_181 = arith.constant 2 : i32
      %add3A_182 = arith.addi %add3A_129, %add3A_181 : i32
      %mul3A_183 = arith.constant 16 : i32
      %mul3A_184 = arith.muli %add3A_182, %mul3A_183 : i32
      %dma_wait3A_185 = tpu.memref_slice %arg5[%mul3A_184] : memref<1024xi32, #tpu.memory_space<vmem>> -> memref<16xi32, #tpu.memory_space<vmem>>
      %dma_wait3A_186 = arith.constant 0 : i32
      %dma_wait3A_187 = arith.constant 0 : i32
      %dma_wait3A_188 = tpu.memref_slice %arg2[%dma_wait3A_186, %dma_wait3A_187] : memref<50257x768xf32, #tpu.memory_space<hbm>> -> memref<50257x768xf32, #tpu.memory_space<hbm>>
      tpu.wait_indirect_dma semaphore(%arg16 : memref<!tpu.dma_semaphore, #tpu.memory_space<semaphore_mem>>) src(%dma_wait3A_188 : memref<50257x768xf32, #tpu.memory_space<hbm>>) dst(%arg8 : memref<16x768xf32, #tpu.memory_space<vmem>>)
      %mul3A_189 = arith.constant 16 : i32
      %mul3A_190 = arith.muli %add3A_182, %mul3A_189 : i32
      %add3A_191 = arith.addi %mul3A_2, %mul3A_190 : i32
      %dma_start3A_192 = arith.constant 0 : i32
      %dma_start3A_193 = tpu.memref_slice %arg4[%add3A_191, %dma_start3A_192] : memref<32768x768xf32, #tpu.memory_space<hbm>> -> memref<16x768xf32, #tpu.memory_space<hbm>>
      %dma_start3A_194 = arith.constant 0 : i32
      %dma_start3A_195 = tpu.memref_slice %arg4[%add3A_191, %dma_start3A_194] : memref<32768x768xf32, #tpu.memory_space<hbm>> -> memref<16x768xf32, #tpu.memory_space<hbm>>
      tpu.enqueue_dma source(%arg8 : memref<16x768xf32, #tpu.memory_space<vmem>>) target(%dma_start3A_195 : memref<16x768xf32, #tpu.memory_space<hbm>>) target_semaphore(%arg24 : memref<!tpu.dma_semaphore, #tpu.memory_space<semaphore_mem>>)
      %sub3A_196 = arith.constant 4 : i32
      %sub3A_197 = arith.subi %add3A_182, %sub3A_196 : i32
      %ge3A_198 = arith.constant 0 : i32
      %ge3A_199 = arith.cmpi sge, %sub3A_197, %ge3A_198 : i32
      %add3A_200 = arith.constant 8 : i32
      %add3A_201 = arith.addi %sub3A_197, %add3A_200 : i32
      %lt3A_202 = arith.constant 64 : i32
      %lt3A_203 = arith.cmpi slt, %add3A_201, %lt3A_202 : i32
      %and3A_204 = arith.andi %ge3A_199, %lt3A_203 : i1
      %convert_element_type3A_205 = arith.extui %and3A_204 : i1 to i32
      %cond3A_206 = arith.constant 0 : i32
      %cond3A_207 = arith.cmpi ne, %convert_element_type3A_205, %cond3A_206 : i32
      scf.if %cond3A_207 {
        %mul3A_343 = arith.constant 16 : i32
        %mul3A_344 = arith.muli %sub3A_197, %mul3A_343 : i32
        %add3A_345 = arith.addi %mul3A_2, %mul3A_344 : i32
        %dma_wait3A_346 = arith.constant 0 : i32
        %dma_wait3A_347 = tpu.memref_slice %arg4[%add3A_345, %dma_wait3A_346] : memref<32768x768xf32, #tpu.memory_space<hbm>> -> memref<16x768xf32, #tpu.memory_space<hbm>>
        %dma_wait3A_348 = arith.constant 0 : i32
        %dma_wait3A_349 = tpu.memref_slice %arg4[%add3A_345, %dma_wait3A_348] : memref<32768x768xf32, #tpu.memory_space<hbm>> -> memref<16x768xf32, #tpu.memory_space<hbm>>
        tpu.wait_dma2 semaphore(%arg28 : memref<!tpu.dma_semaphore, #tpu.memory_space<semaphore_mem>>) src(%arg12 : memref<16x768xf32, #tpu.memory_space<vmem>>) dst(%dma_wait3A_349 : memref<16x768xf32, #tpu.memory_space<hbm>>)
        %add3A_350 = arith.constant 8 : i32
        %add3A_351 = arith.addi %sub3A_197, %add3A_350 : i32
        %mul3A_352 = arith.constant 16 : i32
        %mul3A_353 = arith.muli %add3A_351, %mul3A_352 : i32
        %dma_start3A_354 = tpu.memref_slice %arg5[%mul3A_353] : memref<1024xi32, #tpu.memory_space<vmem>> -> memref<16xi32, #tpu.memory_space<vmem>>
        %dma_start3A_355 = arith.constant 0 : i32
        %dma_start3A_356 = arith.constant 0 : i32
        %dma_start3A_357 = tpu.memref_slice %arg2[%dma_start3A_355, %dma_start3A_356] : memref<50257x768xf32, #tpu.memory_space<hbm>> -> memref<50257x768xf32, #tpu.memory_space<hbm>>
        tpu.enqueue_indirect_dma source(%dma_start3A_357 : memref<50257x768xf32, #tpu.memory_space<hbm>>) target(%arg12 : memref<16x768xf32, #tpu.memory_space<vmem>>) offsets(%dma_start3A_354 : memref<16xi32, #tpu.memory_space<vmem>>) semaphore(%arg20 : memref<!tpu.dma_semaphore, #tpu.memory_space<semaphore_mem>>)
      } else {
      }
      %add3A_208 = arith.constant 3 : i32
      %add3A_209 = arith.addi %add3A_129, %add3A_208 : i32
      %mul3A_210 = arith.constant 16 : i32
      %mul3A_211 = arith.muli %add3A_209, %mul3A_210 : i32
      %dma_wait3A_212 = tpu.memref_slice %arg5[%mul3A_211] : memref<1024xi32, #tpu.memory_space<vmem>> -> memref<16xi32, #tpu.memory_space<vmem>>
      %dma_wait3A_213 = arith.constant 0 : i32
      %dma_wait3A_214 = arith.constant 0 : i32
      %dma_wait3A_215 = tpu.memref_slice %arg2[%dma_wait3A_213, %dma_wait3A_214] : memref<50257x768xf32, #tpu.memory_space<hbm>> -> memref<50257x768xf32, #tpu.memory_space<hbm>>
      tpu.wait_indirect_dma semaphore(%arg17 : memref<!tpu.dma_semaphore, #tpu.memory_space<semaphore_mem>>) src(%dma_wait3A_215 : memref<50257x768xf32, #tpu.memory_space<hbm>>) dst(%arg9 : memref<16x768xf32, #tpu.memory_space<vmem>>)
      %mul3A_216 = arith.constant 16 : i32
      %mul3A_217 = arith.muli %add3A_209, %mul3A_216 : i32
      %add3A_218 = arith.addi %mul3A_2, %mul3A_217 : i32
      %dma_start3A_219 = arith.constant 0 : i32
      %dma_start3A_220 = tpu.memref_slice %arg4[%add3A_218, %dma_start3A_219] : memref<32768x768xf32, #tpu.memory_space<hbm>> -> memref<16x768xf32, #tpu.memory_space<hbm>>
      %dma_start3A_221 = arith.constant 0 : i32
      %dma_start3A_222 = tpu.memref_slice %arg4[%add3A_218, %dma_start3A_221] : memref<32768x768xf32, #tpu.memory_space<hbm>> -> memref<16x768xf32, #tpu.memory_space<hbm>>
      tpu.enqueue_dma source(%arg9 : memref<16x768xf32, #tpu.memory_space<vmem>>) target(%dma_start3A_222 : memref<16x768xf32, #tpu.memory_space<hbm>>) target_semaphore(%arg25 : memref<!tpu.dma_semaphore, #tpu.memory_space<semaphore_mem>>)
      %sub3A_223 = arith.constant 4 : i32
      %sub3A_224 = arith.subi %add3A_209, %sub3A_223 : i32
      %ge3A_225 = arith.constant 0 : i32
      %ge3A_226 = arith.cmpi sge, %sub3A_224, %ge3A_225 : i32
      %add3A_227 = arith.constant 8 : i32
      %add3A_228 = arith.addi %sub3A_224, %add3A_227 : i32
      %lt3A_229 = arith.constant 64 : i32
      %lt3A_230 = arith.cmpi slt, %add3A_228, %lt3A_229 : i32
      %and3A_231 = arith.andi %ge3A_226, %lt3A_230 : i1
      %convert_element_type3A_232 = arith.extui %and3A_231 : i1 to i32
      %cond3A_233 = arith.constant 0 : i32
      %cond3A_234 = arith.cmpi ne, %convert_element_type3A_232, %cond3A_233 : i32
      scf.if %cond3A_234 {
        %mul3A_343 = arith.constant 16 : i32
        %mul3A_344 = arith.muli %sub3A_224, %mul3A_343 : i32
        %add3A_345 = arith.addi %mul3A_2, %mul3A_344 : i32
        %dma_wait3A_346 = arith.constant 0 : i32
        %dma_wait3A_347 = tpu.memref_slice %arg4[%add3A_345, %dma_wait3A_346] : memref<32768x768xf32, #tpu.memory_space<hbm>> -> memref<16x768xf32, #tpu.memory_space<hbm>>
        %dma_wait3A_348 = arith.constant 0 : i32
        %dma_wait3A_349 = tpu.memref_slice %arg4[%add3A_345, %dma_wait3A_348] : memref<32768x768xf32, #tpu.memory_space<hbm>> -> memref<16x768xf32, #tpu.memory_space<hbm>>
        tpu.wait_dma2 semaphore(%arg29 : memref<!tpu.dma_semaphore, #tpu.memory_space<semaphore_mem>>) src(%arg13 : memref<16x768xf32, #tpu.memory_space<vmem>>) dst(%dma_wait3A_349 : memref<16x768xf32, #tpu.memory_space<hbm>>)
        %add3A_350 = arith.constant 8 : i32
        %add3A_351 = arith.addi %sub3A_224, %add3A_350 : i32
        %mul3A_352 = arith.constant 16 : i32
        %mul3A_353 = arith.muli %add3A_351, %mul3A_352 : i32
        %dma_start3A_354 = tpu.memref_slice %arg5[%mul3A_353] : memref<1024xi32, #tpu.memory_space<vmem>> -> memref<16xi32, #tpu.memory_space<vmem>>
        %dma_start3A_355 = arith.constant 0 : i32
        %dma_start3A_356 = arith.constant 0 : i32
        %dma_start3A_357 = tpu.memref_slice %arg2[%dma_start3A_355, %dma_start3A_356] : memref<50257x768xf32, #tpu.memory_space<hbm>> -> memref<50257x768xf32, #tpu.memory_space<hbm>>
        tpu.enqueue_indirect_dma source(%dma_start3A_357 : memref<50257x768xf32, #tpu.memory_space<hbm>>) target(%arg13 : memref<16x768xf32, #tpu.memory_space<vmem>>) offsets(%dma_start3A_354 : memref<16xi32, #tpu.memory_space<vmem>>) semaphore(%arg21 : memref<!tpu.dma_semaphore, #tpu.memory_space<semaphore_mem>>)
      } else {
      }
      %add3A_235 = arith.constant 4 : i32
      %add3A_236 = arith.addi %add3A_129, %add3A_235 : i32
      %mul3A_237 = arith.constant 16 : i32
      %mul3A_238 = arith.muli %add3A_236, %mul3A_237 : i32
      %dma_wait3A_239 = tpu.memref_slice %arg5[%mul3A_238] : memref<1024xi32, #tpu.memory_space<vmem>> -> memref<16xi32, #tpu.memory_space<vmem>>
      %dma_wait3A_240 = arith.constant 0 : i32
      %dma_wait3A_241 = arith.constant 0 : i32
      %dma_wait3A_242 = tpu.memref_slice %arg2[%dma_wait3A_240, %dma_wait3A_241] : memref<50257x768xf32, #tpu.memory_space<hbm>> -> memref<50257x768xf32, #tpu.memory_space<hbm>>
      tpu.wait_indirect_dma semaphore(%arg18 : memref<!tpu.dma_semaphore, #tpu.memory_space<semaphore_mem>>) src(%dma_wait3A_242 : memref<50257x768xf32, #tpu.memory_space<hbm>>) dst(%arg10 : memref<16x768xf32, #tpu.memory_space<vmem>>)
      %mul3A_243 = arith.constant 16 : i32
      %mul3A_244 = arith.muli %add3A_236, %mul3A_243 : i32
      %add3A_245 = arith.addi %mul3A_2, %mul3A_244 : i32
      %dma_start3A_246 = arith.constant 0 : i32
      %dma_start3A_247 = tpu.memref_slice %arg4[%add3A_245, %dma_start3A_246] : memref<32768x768xf32, #tpu.memory_space<hbm>> -> memref<16x768xf32, #tpu.memory_space<hbm>>
      %dma_start3A_248 = arith.constant 0 : i32
      %dma_start3A_249 = tpu.memref_slice %arg4[%add3A_245, %dma_start3A_248] : memref<32768x768xf32, #tpu.memory_space<hbm>> -> memref<16x768xf32, #tpu.memory_space<hbm>>
      tpu.enqueue_dma source(%arg10 : memref<16x768xf32, #tpu.memory_space<vmem>>) target(%dma_start3A_249 : memref<16x768xf32, #tpu.memory_space<hbm>>) target_semaphore(%arg26 : memref<!tpu.dma_semaphore, #tpu.memory_space<semaphore_mem>>)
      %sub3A_250 = arith.constant 4 : i32
      %sub3A_251 = arith.subi %add3A_236, %sub3A_250 : i32
      %ge3A_252 = arith.constant 0 : i32
      %ge3A_253 = arith.cmpi sge, %sub3A_251, %ge3A_252 : i32
      %add3A_254 = arith.constant 8 : i32
      %add3A_255 = arith.addi %sub3A_251, %add3A_254 : i32
      %lt3A_256 = arith.constant 64 : i32
      %lt3A_257 = arith.cmpi slt, %add3A_255, %lt3A_256 : i32
      %and3A_258 = arith.andi %ge3A_253, %lt3A_257 : i1
      %convert_element_type3A_259 = arith.extui %and3A_258 : i1 to i32
      %cond3A_260 = arith.constant 0 : i32
      %cond3A_261 = arith.cmpi ne, %convert_element_type3A_259, %cond3A_260 : i32
      scf.if %cond3A_261 {
        %mul3A_343 = arith.constant 16 : i32
        %mul3A_344 = arith.muli %sub3A_251, %mul3A_343 : i32
        %add3A_345 = arith.addi %mul3A_2, %mul3A_344 : i32
        %dma_wait3A_346 = arith.constant 0 : i32
        %dma_wait3A_347 = tpu.memref_slice %arg4[%add3A_345, %dma_wait3A_346] : memref<32768x768xf32, #tpu.memory_space<hbm>> -> memref<16x768xf32, #tpu.memory_space<hbm>>
        %dma_wait3A_348 = arith.constant 0 : i32
        %dma_wait3A_349 = tpu.memref_slice %arg4[%add3A_345, %dma_wait3A_348] : memref<32768x768xf32, #tpu.memory_space<hbm>> -> memref<16x768xf32, #tpu.memory_space<hbm>>
        tpu.wait_dma2 semaphore(%arg22 : memref<!tpu.dma_semaphore, #tpu.memory_space<semaphore_mem>>) src(%arg6 : memref<16x768xf32, #tpu.memory_space<vmem>>) dst(%dma_wait3A_349 : memref<16x768xf32, #tpu.memory_space<hbm>>)
        %add3A_350 = arith.constant 8 : i32
        %add3A_351 = arith.addi %sub3A_251, %add3A_350 : i32
        %mul3A_352 = arith.constant 16 : i32
        %mul3A_353 = arith.muli %add3A_351, %mul3A_352 : i32
        %dma_start3A_354 = tpu.memref_slice %arg5[%mul3A_353] : memref<1024xi32, #tpu.memory_space<vmem>> -> memref<16xi32, #tpu.memory_space<vmem>>
        %dma_start3A_355 = arith.constant 0 : i32
        %dma_start3A_356 = arith.constant 0 : i32
        %dma_start3A_357 = tpu.memref_slice %arg2[%dma_start3A_355, %dma_start3A_356] : memref<50257x768xf32, #tpu.memory_space<hbm>> -> memref<50257x768xf32, #tpu.memory_space<hbm>>
        tpu.enqueue_indirect_dma source(%dma_start3A_357 : memref<50257x768xf32, #tpu.memory_space<hbm>>) target(%arg6 : memref<16x768xf32, #tpu.memory_space<vmem>>) offsets(%dma_start3A_354 : memref<16xi32, #tpu.memory_space<vmem>>) semaphore(%arg14 : memref<!tpu.dma_semaphore, #tpu.memory_space<semaphore_mem>>)
      } else {
      }
      %add3A_262 = arith.constant 5 : i32
      %add3A_263 = arith.addi %add3A_129, %add3A_262 : i32
      %mul3A_264 = arith.constant 16 : i32
      %mul3A_265 = arith.muli %add3A_263, %mul3A_264 : i32
      %dma_wait3A_266 = tpu.memref_slice %arg5[%mul3A_265] : memref<1024xi32, #tpu.memory_space<vmem>> -> memref<16xi32, #tpu.memory_space<vmem>>
      %dma_wait3A_267 = arith.constant 0 : i32
      %dma_wait3A_268 = arith.constant 0 : i32
      %dma_wait3A_269 = tpu.memref_slice %arg2[%dma_wait3A_267, %dma_wait3A_268] : memref<50257x768xf32, #tpu.memory_space<hbm>> -> memref<50257x768xf32, #tpu.memory_space<hbm>>
      tpu.wait_indirect_dma semaphore(%arg19 : memref<!tpu.dma_semaphore, #tpu.memory_space<semaphore_mem>>) src(%dma_wait3A_269 : memref<50257x768xf32, #tpu.memory_space<hbm>>) dst(%arg11 : memref<16x768xf32, #tpu.memory_space<vmem>>)
      %mul3A_270 = arith.constant 16 : i32
      %mul3A_271 = arith.muli %add3A_263, %mul3A_270 : i32
      %add3A_272 = arith.addi %mul3A_2, %mul3A_271 : i32
      %dma_start3A_273 = arith.constant 0 : i32
      %dma_start3A_274 = tpu.memref_slice %arg4[%add3A_272, %dma_start3A_273] : memref<32768x768xf32, #tpu.memory_space<hbm>> -> memref<16x768xf32, #tpu.memory_space<hbm>>
      %dma_start3A_275 = arith.constant 0 : i32
      %dma_start3A_276 = tpu.memref_slice %arg4[%add3A_272, %dma_start3A_275] : memref<32768x768xf32, #tpu.memory_space<hbm>> -> memref<16x768xf32, #tpu.memory_space<hbm>>
      tpu.enqueue_dma source(%arg11 : memref<16x768xf32, #tpu.memory_space<vmem>>) target(%dma_start3A_276 : memref<16x768xf32, #tpu.memory_space<hbm>>) target_semaphore(%arg27 : memref<!tpu.dma_semaphore, #tpu.memory_space<semaphore_mem>>)
      %sub3A_277 = arith.constant 4 : i32
      %sub3A_278 = arith.subi %add3A_263, %sub3A_277 : i32
      %ge3A_279 = arith.constant 0 : i32
      %ge3A_280 = arith.cmpi sge, %sub3A_278, %ge3A_279 : i32
      %add3A_281 = arith.constant 8 : i32
      %add3A_282 = arith.addi %sub3A_278, %add3A_281 : i32
      %lt3A_283 = arith.constant 64 : i32
      %lt3A_284 = arith.cmpi slt, %add3A_282, %lt3A_283 : i32
      %and3A_285 = arith.andi %ge3A_280, %lt3A_284 : i1
      %convert_element_type3A_286 = arith.extui %and3A_285 : i1 to i32
      %cond3A_287 = arith.constant 0 : i32
      %cond3A_288 = arith.cmpi ne, %convert_element_type3A_286, %cond3A_287 : i32
      scf.if %cond3A_288 {
        %mul3A_343 = arith.constant 16 : i32
        %mul3A_344 = arith.muli %sub3A_278, %mul3A_343 : i32
        %add3A_345 = arith.addi %mul3A_2, %mul3A_344 : i32
        %dma_wait3A_346 = arith.constant 0 : i32
        %dma_wait3A_347 = tpu.memref_slice %arg4[%add3A_345, %dma_wait3A_346] : memref<32768x768xf32, #tpu.memory_space<hbm>> -> memref<16x768xf32, #tpu.memory_space<hbm>>
        %dma_wait3A_348 = arith.constant 0 : i32
        %dma_wait3A_349 = tpu.memref_slice %arg4[%add3A_345, %dma_wait3A_348] : memref<32768x768xf32, #tpu.memory_space<hbm>> -> memref<16x768xf32, #tpu.memory_space<hbm>>
        tpu.wait_dma2 semaphore(%arg23 : memref<!tpu.dma_semaphore, #tpu.memory_space<semaphore_mem>>) src(%arg7 : memref<16x768xf32, #tpu.memory_space<vmem>>) dst(%dma_wait3A_349 : memref<16x768xf32, #tpu.memory_space<hbm>>)
        %add3A_350 = arith.constant 8 : i32
        %add3A_351 = arith.addi %sub3A_278, %add3A_350 : i32
        %mul3A_352 = arith.constant 16 : i32
        %mul3A_353 = arith.muli %add3A_351, %mul3A_352 : i32
        %dma_start3A_354 = tpu.memref_slice %arg5[%mul3A_353] : memref<1024xi32, #tpu.memory_space<vmem>> -> memref<16xi32, #tpu.memory_space<vmem>>
        %dma_start3A_355 = arith.constant 0 : i32
        %dma_start3A_356 = arith.constant 0 : i32
        %dma_start3A_357 = tpu.memref_slice %arg2[%dma_start3A_355, %dma_start3A_356] : memref<50257x768xf32, #tpu.memory_space<hbm>> -> memref<50257x768xf32, #tpu.memory_space<hbm>>
        tpu.enqueue_indirect_dma source(%dma_start3A_357 : memref<50257x768xf32, #tpu.memory_space<hbm>>) target(%arg7 : memref<16x768xf32, #tpu.memory_space<vmem>>) offsets(%dma_start3A_354 : memref<16xi32, #tpu.memory_space<vmem>>) semaphore(%arg15 : memref<!tpu.dma_semaphore, #tpu.memory_space<semaphore_mem>>)
      } else {
      }
      %add3A_289 = arith.constant 6 : i32
      %add3A_290 = arith.addi %add3A_129, %add3A_289 : i32
      %mul3A_291 = arith.constant 16 : i32
      %mul3A_292 = arith.muli %add3A_290, %mul3A_291 : i32
      %dma_wait3A_293 = tpu.memref_slice %arg5[%mul3A_292] : memref<1024xi32, #tpu.memory_space<vmem>> -> memref<16xi32, #tpu.memory_space<vmem>>
      %dma_wait3A_294 = arith.constant 0 : i32
      %dma_wait3A_295 = arith.constant 0 : i32
      %dma_wait3A_296 = tpu.memref_slice %arg2[%dma_wait3A_294, %dma_wait3A_295] : memref<50257x768xf32, #tpu.memory_space<hbm>> -> memref<50257x768xf32, #tpu.memory_space<hbm>>
      tpu.wait_indirect_dma semaphore(%arg20 : memref<!tpu.dma_semaphore, #tpu.memory_space<semaphore_mem>>) src(%dma_wait3A_296 : memref<50257x768xf32, #tpu.memory_space<hbm>>) dst(%arg12 : memref<16x768xf32, #tpu.memory_space<vmem>>)
      %mul3A_297 = arith.constant 16 : i32
      %mul3A_298 = arith.muli %add3A_290, %mul3A_297 : i32
      %add3A_299 = arith.addi %mul3A_2, %mul3A_298 : i32
      %dma_start3A_300 = arith.constant 0 : i32
      %dma_start3A_301 = tpu.memref_slice %arg4[%add3A_299, %dma_start3A_300] : memref<32768x768xf32, #tpu.memory_space<hbm>> -> memref<16x768xf32, #tpu.memory_space<hbm>>
      %dma_start3A_302 = arith.constant 0 : i32
      %dma_start3A_303 = tpu.memref_slice %arg4[%add3A_299, %dma_start3A_302] : memref<32768x768xf32, #tpu.memory_space<hbm>> -> memref<16x768xf32, #tpu.memory_space<hbm>>
      tpu.enqueue_dma source(%arg12 : memref<16x768xf32, #tpu.memory_space<vmem>>) target(%dma_start3A_303 : memref<16x768xf32, #tpu.memory_space<hbm>>) target_semaphore(%arg28 : memref<!tpu.dma_semaphore, #tpu.memory_space<semaphore_mem>>)
      %sub3A_304 = arith.constant 4 : i32
      %sub3A_305 = arith.subi %add3A_290, %sub3A_304 : i32
      %ge3A_306 = arith.constant 0 : i32
      %ge3A_307 = arith.cmpi sge, %sub3A_305, %ge3A_306 : i32
      %add3A_308 = arith.constant 8 : i32
      %add3A_309 = arith.addi %sub3A_305, %add3A_308 : i32
      %lt3A_310 = arith.constant 64 : i32
      %lt3A_311 = arith.cmpi slt, %add3A_309, %lt3A_310 : i32
      %and3A_312 = arith.andi %ge3A_307, %lt3A_311 : i1
      %convert_element_type3A_313 = arith.extui %and3A_312 : i1 to i32
      %cond3A_314 = arith.constant 0 : i32
      %cond3A_315 = arith.cmpi ne, %convert_element_type3A_313, %cond3A_314 : i32
      scf.if %cond3A_315 {
        %mul3A_343 = arith.constant 16 : i32
        %mul3A_344 = arith.muli %sub3A_305, %mul3A_343 : i32
        %add3A_345 = arith.addi %mul3A_2, %mul3A_344 : i32
        %dma_wait3A_346 = arith.constant 0 : i32
        %dma_wait3A_347 = tpu.memref_slice %arg4[%add3A_345, %dma_wait3A_346] : memref<32768x768xf32, #tpu.memory_space<hbm>> -> memref<16x768xf32, #tpu.memory_space<hbm>>
        %dma_wait3A_348 = arith.constant 0 : i32
        %dma_wait3A_349 = tpu.memref_slice %arg4[%add3A_345, %dma_wait3A_348] : memref<32768x768xf32, #tpu.memory_space<hbm>> -> memref<16x768xf32, #tpu.memory_space<hbm>>
        tpu.wait_dma2 semaphore(%arg24 : memref<!tpu.dma_semaphore, #tpu.memory_space<semaphore_mem>>) src(%arg8 : memref<16x768xf32, #tpu.memory_space<vmem>>) dst(%dma_wait3A_349 : memref<16x768xf32, #tpu.memory_space<hbm>>)
        %add3A_350 = arith.constant 8 : i32
        %add3A_351 = arith.addi %sub3A_305, %add3A_350 : i32
        %mul3A_352 = arith.constant 16 : i32
        %mul3A_353 = arith.muli %add3A_351, %mul3A_352 : i32
        %dma_start3A_354 = tpu.memref_slice %arg5[%mul3A_353] : memref<1024xi32, #tpu.memory_space<vmem>> -> memref<16xi32, #tpu.memory_space<vmem>>
        %dma_start3A_355 = arith.constant 0 : i32
        %dma_start3A_356 = arith.constant 0 : i32
        %dma_start3A_357 = tpu.memref_slice %arg2[%dma_start3A_355, %dma_start3A_356] : memref<50257x768xf32, #tpu.memory_space<hbm>> -> memref<50257x768xf32, #tpu.memory_space<hbm>>
        tpu.enqueue_indirect_dma source(%dma_start3A_357 : memref<50257x768xf32, #tpu.memory_space<hbm>>) target(%arg8 : memref<16x768xf32, #tpu.memory_space<vmem>>) offsets(%dma_start3A_354 : memref<16xi32, #tpu.memory_space<vmem>>) semaphore(%arg16 : memref<!tpu.dma_semaphore, #tpu.memory_space<semaphore_mem>>)
      } else {
      }
      %add3A_316 = arith.constant 7 : i32
      %add3A_317 = arith.addi %add3A_129, %add3A_316 : i32
      %mul3A_318 = arith.constant 16 : i32
      %mul3A_319 = arith.muli %add3A_317, %mul3A_318 : i32
      %dma_wait3A_320 = tpu.memref_slice %arg5[%mul3A_319] : memref<1024xi32, #tpu.memory_space<vmem>> -> memref<16xi32, #tpu.memory_space<vmem>>
      %dma_wait3A_321 = arith.constant 0 : i32
      %dma_wait3A_322 = arith.constant 0 : i32
      %dma_wait3A_323 = tpu.memref_slice %arg2[%dma_wait3A_321, %dma_wait3A_322] : memref<50257x768xf32, #tpu.memory_space<hbm>> -> memref<50257x768xf32, #tpu.memory_space<hbm>>
      tpu.wait_indirect_dma semaphore(%arg21 : memref<!tpu.dma_semaphore, #tpu.memory_space<semaphore_mem>>) src(%dma_wait3A_323 : memref<50257x768xf32, #tpu.memory_space<hbm>>) dst(%arg13 : memref<16x768xf32, #tpu.memory_space<vmem>>)
      %mul3A_324 = arith.constant 16 : i32
      %mul3A_325 = arith.muli %add3A_317, %mul3A_324 : i32
      %add3A_326 = arith.addi %mul3A_2, %mul3A_325 : i32
      %dma_start3A_327 = arith.constant 0 : i32
      %dma_start3A_328 = tpu.memref_slice %arg4[%add3A_326, %dma_start3A_327] : memref<32768x768xf32, #tpu.memory_space<hbm>> -> memref<16x768xf32, #tpu.memory_space<hbm>>
      %dma_start3A_329 = arith.constant 0 : i32
      %dma_start3A_330 = tpu.memref_slice %arg4[%add3A_326, %dma_start3A_329] : memref<32768x768xf32, #tpu.memory_space<hbm>> -> memref<16x768xf32, #tpu.memory_space<hbm>>
      tpu.enqueue_dma source(%arg13 : memref<16x768xf32, #tpu.memory_space<vmem>>) target(%dma_start3A_330 : memref<16x768xf32, #tpu.memory_space<hbm>>) target_semaphore(%arg29 : memref<!tpu.dma_semaphore, #tpu.memory_space<semaphore_mem>>)
      %sub3A_331 = arith.constant 4 : i32
      %sub3A_332 = arith.subi %add3A_317, %sub3A_331 : i32
      %ge3A_333 = arith.constant 0 : i32
      %ge3A_334 = arith.cmpi sge, %sub3A_332, %ge3A_333 : i32
      %add3A_335 = arith.constant 8 : i32
      %add3A_336 = arith.addi %sub3A_332, %add3A_335 : i32
      %lt3A_337 = arith.constant 64 : i32
      %lt3A_338 = arith.cmpi slt, %add3A_336, %lt3A_337 : i32
      %and3A_339 = arith.andi %ge3A_334, %lt3A_338 : i1
      %convert_element_type3A_340 = arith.extui %and3A_339 : i1 to i32
      %cond3A_341 = arith.constant 0 : i32
      %cond3A_342 = arith.cmpi ne, %convert_element_type3A_340, %cond3A_341 : i32
      scf.if %cond3A_342 {
        %mul3A_343 = arith.constant 16 : i32
        %mul3A_344 = arith.muli %sub3A_332, %mul3A_343 : i32
        %add3A_345 = arith.addi %mul3A_2, %mul3A_344 : i32
        %dma_wait3A_346 = arith.constant 0 : i32
        %dma_wait3A_347 = tpu.memref_slice %arg4[%add3A_345, %dma_wait3A_346] : memref<32768x768xf32, #tpu.memory_space<hbm>> -> memref<16x768xf32, #tpu.memory_space<hbm>>
        %dma_wait3A_348 = arith.constant 0 : i32
        %dma_wait3A_349 = tpu.memref_slice %arg4[%add3A_345, %dma_wait3A_348] : memref<32768x768xf32, #tpu.memory_space<hbm>> -> memref<16x768xf32, #tpu.memory_space<hbm>>
        tpu.wait_dma2 semaphore(%arg25 : memref<!tpu.dma_semaphore, #tpu.memory_space<semaphore_mem>>) src(%arg9 : memref<16x768xf32, #tpu.memory_space<vmem>>) dst(%dma_wait3A_349 : memref<16x768xf32, #tpu.memory_space<hbm>>)
        %add3A_350 = arith.constant 8 : i32
        %add3A_351 = arith.addi %sub3A_332, %add3A_350 : i32
        %mul3A_352 = arith.constant 16 : i32
        %mul3A_353 = arith.muli %add3A_351, %mul3A_352 : i32
        %dma_start3A_354 = tpu.memref_slice %arg5[%mul3A_353] : memref<1024xi32, #tpu.memory_space<vmem>> -> memref<16xi32, #tpu.memory_space<vmem>>
        %dma_start3A_355 = arith.constant 0 : i32
        %dma_start3A_356 = arith.constant 0 : i32
        %dma_start3A_357 = tpu.memref_slice %arg2[%dma_start3A_355, %dma_start3A_356] : memref<50257x768xf32, #tpu.memory_space<hbm>> -> memref<50257x768xf32, #tpu.memory_space<hbm>>
        tpu.enqueue_indirect_dma source(%dma_start3A_357 : memref<50257x768xf32, #tpu.memory_space<hbm>>) target(%arg9 : memref<16x768xf32, #tpu.memory_space<vmem>>) offsets(%dma_start3A_354 : memref<16xi32, #tpu.memory_space<vmem>>) semaphore(%arg17 : memref<!tpu.dma_semaphore, #tpu.memory_space<semaphore_mem>>)
      } else {
      }
    }
    %scan3A_77 = arith.constant 8 : i32
    %add3A_78 = arith.constant 896 : i32
    %add3A_79 = arith.addi %mul3A_2, %add3A_78 : i32
    %dma_wait3A = arith.constant 0 : i32
    %dma_wait3A_80 = tpu.memref_slice %arg4[%add3A_79, %dma_wait3A] : memref<32768x768xf32, #tpu.memory_space<hbm>> -> memref<16x768xf32, #tpu.memory_space<hbm>>
    %dma_wait3A_81 = arith.constant 0 : i32
    %dma_wait3A_82 = tpu.memref_slice %arg4[%add3A_79, %dma_wait3A_81] : memref<32768x768xf32, #tpu.memory_space<hbm>> -> memref<16x768xf32, #tpu.memory_space<hbm>>
    tpu.wait_dma2 semaphore(%arg22 : memref<!tpu.dma_semaphore, #tpu.memory_space<semaphore_mem>>) src(%arg6 : memref<16x768xf32, #tpu.memory_space<vmem>>) dst(%dma_wait3A_82 : memref<16x768xf32, #tpu.memory_space<hbm>>)
    %add3A_83 = arith.constant 912 : i32
    %add3A_84 = arith.addi %mul3A_2, %add3A_83 : i32
    %dma_wait3A_85 = arith.constant 0 : i32
    %dma_wait3A_86 = tpu.memref_slice %arg4[%add3A_84, %dma_wait3A_85] : memref<32768x768xf32, #tpu.memory_space<hbm>> -> memref<16x768xf32, #tpu.memory_space<hbm>>
    %dma_wait3A_87 = arith.constant 0 : i32
    %dma_wait3A_88 = tpu.memref_slice %arg4[%add3A_84, %dma_wait3A_87] : memref<32768x768xf32, #tpu.memory_space<hbm>> -> memref<16x768xf32, #tpu.memory_space<hbm>>
    tpu.wait_dma2 semaphore(%arg23 : memref<!tpu.dma_semaphore, #tpu.memory_space<semaphore_mem>>) src(%arg7 : memref<16x768xf32, #tpu.memory_space<vmem>>) dst(%dma_wait3A_88 : memref<16x768xf32, #tpu.memory_space<hbm>>)
    %add3A_89 = arith.constant 928 : i32
    %add3A_90 = arith.addi %mul3A_2, %add3A_89 : i32
    %dma_wait3A_91 = arith.constant 0 : i32
    %dma_wait3A_92 = tpu.memref_slice %arg4[%add3A_90, %dma_wait3A_91] : memref<32768x768xf32, #tpu.memory_space<hbm>> -> memref<16x768xf32, #tpu.memory_space<hbm>>
    %dma_wait3A_93 = arith.constant 0 : i32
    %dma_wait3A_94 = tpu.memref_slice %arg4[%add3A_90, %dma_wait3A_93] : memref<32768x768xf32, #tpu.memory_space<hbm>> -> memref<16x768xf32, #tpu.memory_space<hbm>>
    tpu.wait_dma2 semaphore(%arg24 : memref<!tpu.dma_semaphore, #tpu.memory_space<semaphore_mem>>) src(%arg8 : memref<16x768xf32, #tpu.memory_space<vmem>>) dst(%dma_wait3A_94 : memref<16x768xf32, #tpu.memory_space<hbm>>)
    %add3A_95 = arith.constant 944 : i32
    %add3A_96 = arith.addi %mul3A_2, %add3A_95 : i32
    %dma_wait3A_97 = arith.constant 0 : i32
    %dma_wait3A_98 = tpu.memref_slice %arg4[%add3A_96, %dma_wait3A_97] : memref<32768x768xf32, #tpu.memory_space<hbm>> -> memref<16x768xf32, #tpu.memory_space<hbm>>
    %dma_wait3A_99 = arith.constant 0 : i32
    %dma_wait3A_100 = tpu.memref_slice %arg4[%add3A_96, %dma_wait3A_99] : memref<32768x768xf32, #tpu.memory_space<hbm>> -> memref<16x768xf32, #tpu.memory_space<hbm>>
    tpu.wait_dma2 semaphore(%arg25 : memref<!tpu.dma_semaphore, #tpu.memory_space<semaphore_mem>>) src(%arg9 : memref<16x768xf32, #tpu.memory_space<vmem>>) dst(%dma_wait3A_100 : memref<16x768xf32, #tpu.memory_space<hbm>>)
    %add3A_101 = arith.constant 960 : i32
    %add3A_102 = arith.addi %mul3A_2, %add3A_101 : i32
    %dma_wait3A_103 = arith.constant 0 : i32
    %dma_wait3A_104 = tpu.memref_slice %arg4[%add3A_102, %dma_wait3A_103] : memref<32768x768xf32, #tpu.memory_space<hbm>> -> memref<16x768xf32, #tpu.memory_space<hbm>>
    %dma_wait3A_105 = arith.constant 0 : i32
    %dma_wait3A_106 = tpu.memref_slice %arg4[%add3A_102, %dma_wait3A_105] : memref<32768x768xf32, #tpu.memory_space<hbm>> -> memref<16x768xf32, #tpu.memory_space<hbm>>
    tpu.wait_dma2 semaphore(%arg26 : memref<!tpu.dma_semaphore, #tpu.memory_space<semaphore_mem>>) src(%arg10 : memref<16x768xf32, #tpu.memory_space<vmem>>) dst(%dma_wait3A_106 : memref<16x768xf32, #tpu.memory_space<hbm>>)
    %add3A_107 = arith.constant 976 : i32
    %add3A_108 = arith.addi %mul3A_2, %add3A_107 : i32
    %dma_wait3A_109 = arith.constant 0 : i32
    %dma_wait3A_110 = tpu.memref_slice %arg4[%add3A_108, %dma_wait3A_109] : memref<32768x768xf32, #tpu.memory_space<hbm>> -> memref<16x768xf32, #tpu.memory_space<hbm>>
    %dma_wait3A_111 = arith.constant 0 : i32
    %dma_wait3A_112 = tpu.memref_slice %arg4[%add3A_108, %dma_wait3A_111] : memref<32768x768xf32, #tpu.memory_space<hbm>> -> memref<16x768xf32, #tpu.memory_space<hbm>>
    tpu.wait_dma2 semaphore(%arg27 : memref<!tpu.dma_semaphore, #tpu.memory_space<semaphore_mem>>) src(%arg11 : memref<16x768xf32, #tpu.memory_space<vmem>>) dst(%dma_wait3A_112 : memref<16x768xf32, #tpu.memory_space<hbm>>)
    %add3A_113 = arith.constant 992 : i32
    %add3A_114 = arith.addi %mul3A_2, %add3A_113 : i32
    %dma_wait3A_115 = arith.constant 0 : i32
    %dma_wait3A_116 = tpu.memref_slice %arg4[%add3A_114, %dma_wait3A_115] : memref<32768x768xf32, #tpu.memory_space<hbm>> -> memref<16x768xf32, #tpu.memory_space<hbm>>
    %dma_wait3A_117 = arith.constant 0 : i32
    %dma_wait3A_118 = tpu.memref_slice %arg4[%add3A_114, %dma_wait3A_117] : memref<32768x768xf32, #tpu.memory_space<hbm>> -> memref<16x768xf32, #tpu.memory_space<hbm>>
    tpu.wait_dma2 semaphore(%arg28 : memref<!tpu.dma_semaphore, #tpu.memory_space<semaphore_mem>>) src(%arg12 : memref<16x768xf32, #tpu.memory_space<vmem>>) dst(%dma_wait3A_118 : memref<16x768xf32, #tpu.memory_space<hbm>>)
    %add3A_119 = arith.constant 1008 : i32
    %add3A_120 = arith.addi %mul3A_2, %add3A_119 : i32
    %dma_wait3A_121 = arith.constant 0 : i32
    %dma_wait3A_122 = tpu.memref_slice %arg4[%add3A_120, %dma_wait3A_121] : memref<32768x768xf32, #tpu.memory_space<hbm>> -> memref<16x768xf32, #tpu.memory_space<hbm>>
    %dma_wait3A_123 = arith.constant 0 : i32
    %dma_wait3A_124 = tpu.memref_slice %arg4[%add3A_120, %dma_wait3A_123] : memref<32768x768xf32, #tpu.memory_space<hbm>> -> memref<16x768xf32, #tpu.memory_space<hbm>>
    tpu.wait_dma2 semaphore(%arg29 : memref<!tpu.dma_semaphore, #tpu.memory_space<semaphore_mem>>) src(%arg13 : memref<16x768xf32, #tpu.memory_space<vmem>>) dst(%dma_wait3A_124 : memref<16x768xf32, #tpu.memory_space<hbm>>)
    return
  }
}

</mosaic_0001>

<sc_bundles>
// kernel: kernel.3.cloned.1.call-start
scs
__scs_entry_jumppad:
0x0: {  	(pc) =	sbr.rel $0x88, $3  }
0x1: {  	(tag) =	ssettag $0x0;
	lr =	simm.s32 $0x1  }
0x2: {  	[smem:$0x3F9F] =	sst lr;
	_ =	strace $0xD0000000  }
0x3: {  	_ = 	snop  }
0x4: {  	_ = 	snop  }
0x5: {  	_ = 	snop  }
0x6: {  	_ = 	snop  }
0x7: {  	_ = 	snop  }
__scs_overlays_trampoline_lowered:
0x8: {  	[smem:$0x3FAE] =	sst s0  }
0x9: {  	[smem:$0x3FAF] =	sst s1  }
0xa: {  	[smem:$0x3FB0] =	sst s2  }
0xb: {  	[smem:$0x3FB1] =	sst s3  }
0xc: {  	[smem:$0x3FB2] =	sst s4  }
0xd: {  	[smem:$0x3FB3] =	sst s5  }
0xe: {  	[smem:$0x3FB4] =	sst s6  }
0xf: {  	[smem:$0x3FB5] =	sst s7  }
0x10: {  	[smem:$0x3FB6] =	sst s8  }
0x11: {  	[smem:$0x3FB7] =	sst s9;
	s0 =	simm.s32 @!p0 $0x0  }
0x12: {  	s1 =	sld [smem:$0x3F9D];
	s0 =	simm.s32 @p0 $0x1  }
0x13: {  	[smem:$0x3FB8] =	sst s0;
	s0 =	simm.s32 @!p1 $0x0  }
0x14: {  	s2 =	sld [smem:$0x3F9C];
	s0 =	simm.s32 @p1 $0x1  }
0x15: {  	[smem:$0x3FB9] =	sst s0;
	s0 =	simm.s32 @!p2 $0x0  }
0x16: {  	s3 =	sld [smem:$0x3FDB];
	s0 =	simm.s32 @p2 $0x1  }
0x17: {  	s4 =	simm.s32 $0x1BF5;
	[smem:$0x3FBB] =	sst s0  }
0x18: {  	s0 =	sld [smem:$0x3F9E];
	_ =	swait.ge [sflag:s4], $0x0  }
0x19: {  	s7 =	sld [smem:$0x3F9F]  }
0x1a: {  	s8 =	sadd.s32 $0xFFFFE003, lr  }
0x1b: {  	s9 =	sadd.s32 $0xFFFFFEF7, lr;
	s5 =	simm.s32 $0xFFFFFFFF;
	p2 =	slt.u32 s8, $0xFFFFF086  }
0x1c: {  	p1 =	slt.u32 s9, $0xF7A;
	s5 =	simm.s32 @!p2 $0x0  }
0x1d: {  	s5 =	simm.s32 @p1 $0x1;
	p0 =	seq.s32 s7, s2  }
0x1e: {  	s7 =	smul.u32 @!p0 $0xF7A, s2;
	p2 =	seq.s32 @!p0 s5, $0x0  }
0x1f: {  	s9 =	smul.u32 $0xF7A, s1;
	s8 =	simm.s32 @!p0 $0x1BF5;
	p2 =	por !p2, p0  }
0x20: {  	[sflag:s8] =	ssyncset.s32 @!p0 $0xFFFFF086;
	s6 =	sadd.s32 @!p0 s3, s7;
	s7 =	simm.s32 @!p0 $0x108  }
0x21: {  	s3 =	sadd.s32 s3, s9;
	s6 =	sadd.s32 @!p0 $0x88, s6;
	s7 =	simm.s32 @p2 $0x1082  }
0x22: {  	[simem:s7], [sflag:s8] =	dma.local @!p0 [hbm:s6], $0xF7A  }
0x23: {  	s9 =	sor.u32 $0xD0000000, s2;
	s6 =	simm.s32 $0x108;
	_ =	swait.ge @!p0 [sflag:s8], $0x0  }
0x24: {  	s3 =	sadd.s32 $0x88, s3;
	s6 =	simm.s32 @!p1 $0x1082;
	[sflag:s4] =	ssyncset.s32 $0xFFFFF086  }
0x25: {  	[simem:s6], [sflag:s4] =	dma.local [hbm:s3], $0xF7A  }
0x26: {  	[smem:$0x3F9F] =	sst s1;
	(tag) =	ssettag s2;
	_ =	strace s9  }
0x27: {  	s1 =	sld [smem:$0x3FAF]  }
0x28: {  	s2 =	sld [smem:$0x3FB0]  }
0x29: {  	s4 =	sld [smem:$0x3FB2]  }
0x2a: {  	p0 =	seq.s32 s5, $0x0;
	s5 =	sld [smem:$0x3FB3]  }
0x2b: {  	s6 =	sld [smem:$0x3FB4]  }
0x2c: {  	s7 =	sld [smem:$0x3FB5]  }
0x2d: {  	s3 =	simm.s32 $0x108;
	s8 =	sld [smem:$0x3FB6]  }
0x2e: {  	s3 =	simm.s32 @!p0 $0x1082;
	s9 =	sld [smem:$0x3FB7]  }
0x2f: {  	lr =	sadd.s32 s0, s3;
	s0 =	sld [smem:$0x3FAE]  }
0x30: {  	s3 =	sld [smem:$0x3FB1]  }
0x31: {  	[smem:$0x3FBA] =	sst s10  }
0x32: {  	s10 =	sld [smem:$0x3FB8];
	_ =	sdelay $0x3  }
0x33: {  	p0 =	seq.s32 s10, $0x1;
	s10 =	sld [smem:$0x3FBA];
	_ =	sdelay $0x3  }
0x34: {  	[smem:$0x3FBA] =	sst s10  }
0x35: {  	s10 =	sld [smem:$0x3FB9];
	_ =	sdelay $0x3  }
0x36: {  	p1 =	seq.s32 s10, $0x1;
	s10 =	sld [smem:$0x3FBA];
	_ =	sdelay $0x3  }
0x37: {  	[smem:$0x3FBA] =	sst s10  }
0x38: {  	s10 =	sld [smem:$0x3FBB]  }
0x39: {  	_ = 	snop;
	(pc) =	sbr.ind lr, $3  }
0x3a: {  	_ = 	snop  }
0x3b: {  	_ = 	snop  }
0x3c: {  	p2 =	seq.s32 s10, $0x1;
	s10 =	sld [smem:$0x3FBA]  }
0x3d: {  	_ =	shalt  }
0x3e: {  	_ =	shalt  }
0x3f: {  	_ =	shalt  }
0x40: {  	_ =	shalt  }
0x41: {  	_ =	shalt  }
0x42: {  	_ =	shalt  }
0x43: {  	_ =	shalt  }
0x44: {  	_ =	shalt  }
0x45: {  	_ =	shalt  }
0x46: {  	_ =	shalt  }
0x47: {  	_ =	shalt  }
0x48: {  	_ =	shalt  }
0x49: {  	_ =	shalt  }
0x4a: {  	_ =	shalt  }
0x4b: {  	_ =	shalt  }
0x4c: {  	_ =	shalt  }
0x4d: {  	_ =	shalt  }
0x4e: {  	_ =	shalt  }
0x4f: {  	_ =	shalt  }
0x50: {  	_ =	shalt  }
0x51: {  	_ =	shalt  }
0x52: {  	_ =	shalt  }
0x53: {  	_ =	shalt  }
0x54: {  	_ =	shalt  }
0x55: {  	_ =	shalt  }
0x56: {  	_ =	shalt  }
0x57: {  	_ =	shalt  }
0x58: {  	_ =	shalt  }
0x59: {  	_ =	shalt  }
0x5a: {  	_ =	shalt  }
0x5b: {  	_ =	shalt  }
0x5c: {  	_ =	shalt  }
0x5d: {  	_ =	shalt  }
0x5e: {  	_ =	shalt  }
0x5f: {  	_ =	shalt  }
0x60: {  	_ =	shalt  }
0x61: {  	_ =	shalt  }
0x62: {  	_ =	shalt  }
0x63: {  	_ =	shalt  }
0x64: {  	_ =	shalt  }
0x65: {  	_ =	shalt  }
0x66: {  	_ =	shalt  }
0x67: {  	_ =	shalt  }
0x68: {  	_ =	shalt  }
0x69: {  	_ =	shalt  }
0x6a: {  	_ =	shalt  }
0x6b: {  	_ =	shalt  }
0x6c: {  	_ =	shalt  }
0x6d: {  	_ =	shalt  }
0x6e: {  	_ =	shalt  }
0x6f: {  	_ =	shalt  }
0x70: {  	_ =	shalt  }
0x71: {  	_ =	shalt  }
0x72: {  	_ =	shalt  }
0x73: {  	_ =	shalt  }
0x74: {  	_ =	shalt  }
0x75: {  	_ =	shalt  }
0x76: {  	_ =	shalt  }
0x77: {  	_ =	shalt  }
0x78: {  	_ =	shalt  }
0x79: {  	_ =	shalt  }
0x7a: {  	_ =	shalt  }
0x7b: {  	_ =	shalt  }
0x7c: {  	_ =	shalt  }
0x7d: {  	_ =	shalt  }
0x7e: {  	_ =	shalt  }
0x7f: {  	_ =	shalt  }
0x80: {  	_ =	shalt  }
0x81: {  	_ =	shalt  }
0x82: {  	_ =	shalt  }
0x83: {  	_ =	shalt  }
0x84: {  	_ =	shalt  }
0x85: {  	_ =	shalt  }
0x86: {  	_ =	shalt  }
0x87: {  	_ =	shalt  }
.Lfunc_end0:
.L_simem_size_0:
called_computation_lowered:
.L_overlay_start_0:
0x88: {  	s2 =	sld [smem:$0x3FD9]  }
0x89: {  	s3 =	sld [smem:$0x3FFE];
	_ =	sdelay $0x1  }
0x8a: {  	s1 =	srdreg.scid  }
0x8b: {  	s0 =	sand.u32 $0x1, s1  }
0x8c: {  	s18 =	sshll.u32 s0, $0xA;
	s2 =	sadd.s32 s3, s2  }
0x8d: {  	s2 =	sadd.s32 s2, s18  }
0x8e: {  	[smem:$0x3FC6] =	sst s2  }
0x8f: {  	_ = 	snop  }
0x90: {  	s2 =	sld [smem:$0x3FC9]  }
0x91: {  	s19 =	sld [smem:$0x3FC8]  }
0x92: {  	s4 =	sld [smem:$0x3FD0];
	(tm) =	ssettm $0x1  }
0x93: {  	s5 =	sld [smem:$0x3FFB];
	_ =	sdelay $0x3  }
0x94: {  	_ =	strace s5  }
0x95: {  	s5 =	sld [smem:$0x3FFC];
	_ =	sdelay $0x3  }
0x96: {  	_ =	strace s5  }
0x97: {  	s5 =	sld [smem:$0x3FFD];
	_ =	sdelay $0x3  }
0x98: {  	_ =	strace s5  }
0x99: {  	_ =	strace $0x8FFFFFFF  }
0x9a: {  	s20 =	sld [smem:$0x3FDB];
	_ =	sdelay $0x1  }
0x9b: {  	s6 =	simm.s32 $_scs_section_size  }
0x9c: {  	s7 =	simm.s32 $_size__tile_overlayer_lowered;
	s8 =	simm.s32 $_tile_overlayer_lowered  }
0x9d: {  	s23 =	simm.s32 $0x1BFF;
	s22 =	sshll.u32 s8, $0x1;
	s5 =	sadd.s32 s6, s20  }
0x9e: {  	s9 =	simm.s32 $0x0;
	s21 =	sshll.u32 s7, $0x1;
	s7 =	sadd.s32 s22, s5  }
0x9f: {  	[timem:s9], [sflag:s23] =	dma.local [hbm:s7], s21  }
0xa0: {  	_ =	swait.ge [sflag:s23], s21  }
0xa1: {  	s6 =	ssub.s32 $0x0, s21;
	[sflag:s23] =	ssyncset.done $0x0  }
0xa2: {  	[sflag:s23] =	ssyncadd.s32 s6;
	_ =	sdelay $0x1  }
0xa3: {  	s24 =	simm.s32 $0x1B8B  }
0xa4: {  	_ =	swait.ge [sflag:s24], $0x1  }
0xa5: {  	[sflag:s24] =	ssyncset.done $0x0  }
0xa6: {  	s25 =	simm.s32 $0x1B8E;
	[sflag:s24] =	ssyncadd.s32 $0xFFFFFFFF  }
0xa7: {  	s26 =	simm.s32 $execute0_lowered;
	[smem:$0x3FD2] =	sst s25  }
0xa8: {  	s6 =	sshll.u32 s26, $0x1;
	_ =	strace $0x80000046;
	[dreg:$0x1] =	wrdreg $0xFFFFFFFF  }
0xa9: {  	s28 =	simm.s32 $_size_execute0_lowered;
	s5 =	sadd.s32 s5, s6;
	[dreg:$0x0] =	wrdreg $0x0  }
0xaa: {  	s6 =	sshll.u32 s28, $0x1;
	[dreg:$0x2] =	wrdreg s5  }
0xab: {  	[dreg:$0x3] =	wrdreg s6  }
0xac: {  	[dreg:$0x4] =	wrdreg $0xC0  }
0xad: {  	_ =	task [dreg:s9], $0x5FFFF  }
0xae: {  	[dreg:$0x1] =	wrdreg $0xFFFFFFFF  }
0xaf: {  	[dreg:$0x0] =	wrdreg $0x60  }
0xb0: {  	[dreg:$0x2] =	wrdreg s19  }
0xb1: {  	[dreg:$0x3] =	wrdreg s2  }
0xb2: {  	[dreg:$0x4] =	wrdreg s4  }
0xb3: {  	[dreg:$0x5] =	wrdreg $0x9  }
0xb4: {  	_ =	task.clear_ibuf [dreg:s9], $0x6FFFF;
	_ =	strace $0x90000046  }
0xb5: {  	s29 =	simm.s32 $0x9;
	_ =	strace $0x80000048  }
0xb6: {  	_ =	swait.ge [sflag:s29], $0x1  }
0xb7: {  	[sflag:s29] =	ssyncadd.s32 $0xFFFFFFFF  }
0xb8: {  	_ =	strace $0x90000048  }
0xb9: {  	_ =	sfence  }
0xba: {  	s30 =	sld [smem:$0x0];
	_ =	sdelay $0x2  }
0xbb: {  	s31 =	sshll.u32 s1, $0xD;
	s1 =	sshrl.u32 s1, $0x2  }
0xbc: {  	s3 =	sand.u32 $0x4000, s31;
	s1 =	sadd.s32 s1, s30  }
0xbd: {  	s0 =	sor.u32 s3, s0;
	s1 =	sshll.u32 s1, $0x11  }
0xbe: {  	s0 =	sor.u32 s1, s0  }
0xbf: {  	s0 =	sadd.s32 $0x8F2B, s0  }
0xc0: {  	[sflag:s0] =	ssyncadd.remote.s32 $0x1  }
0xc1: {  	_ =	sfence.sel $0xFFFF  }
0xc2: {  	[dreg:$0x0] =	wrdreg $0xFFFFFFFF;
	(pc) =	sbr.abs _section_cstart, $3  }
0xc3: {  	[dreg:$0x1] =	wrdreg $0xFFFFFFFF  }
0xc4: {  	_ =	task.clear_ibuf [dreg:s9], $0x2FFFF;
	_ =	strace $0x9FFFFFFF  }
0xc5: {  	(tm) =	ssettm $0x7FFFFFFF  }
tec
execute0_lowered:
.L_overlay_start_1:
0x0: {  	(tag) =	ssettag $0x1  }
0x1: {  	s1 =	rddreg [dreg:$0x0]  }
0x2: {  	s0 =	rddreg [dreg:$0x1]  }
0x3: {  	s3 =	rddreg [dreg:$0x2]  }
0x4: {  	s4 =	srdreg.scid;
	s2 =	simm.s32 $0x0;
	s9 =	stileid.u32  }
0x5: {  	s29 =	simm.s32 $0x6400;
	s14 =	simm.s32 $0x9400;
	s31 =	simm.s32 $0xF400  }
0x6: {  	s13 =	simm.s32 $0x1;
	s28 =	simm.s32 $0x3;
	s30 =	simm.s32 $0x4  }
0x7: {  	s15 =	simm.s32 $0xC;
	s4 =	sand.u32 $0x1, s4;
	[smem:$0x7FF] =	sst s2  }
0x8: {  	s17 =	sshll.u32 s9, $0xA;
	s8 =	sshll.u32 s9, $0x2;
	s9 =	sshll.u32 s9, $0xB  }
0x9: {  	s5 =	ssub.s32 $0x2, s4;
	_ =	strace $0x80000047;
	s18 =	sshll.u32 s4, $0x9  }
0xa: {  	s4 =	sshll.u32 s4, $0xA;
	s19 =	sand.u32 $0x30, s8;
	s6 =	sshrl.u32 s5, $0x1  }
0xb: {  	s4 =	sor.u32 s4, s9;
	s0 =	sadd.s32 s0, s19;
	s7 =	ssub.s32 s5, s6  }
0xc: {  	s5 =	sor.u32 s18, s17;
	s20 =	sor.u32 $0x40, s4;
	s22 =	sor.u32 $0x50, s4  }
0xd: {  	s24 =	sshrl.u32 s4, $0x3;
	s25 =	sor.u32 $0x60, s4;
	s4 =	sor.u32 $0x70, s4  }
0xe: {  	s18 =	simm.s32 $0x0;
	s5 =	sand.u32 $0xE00, s5;
	s21 =	sshrl.u32 s20, $0x3  }
0xf: {  	s6 =	sshrl.u32 s22, $0x3;
	s10 =	smul.u32 $0x300, s24;
	s8 =	sshrl.u32 s25, $0x3  }
0x10: {  	s4 =	sshrl.u32 s4, $0x3;
	s7 =	smax.u32 s7, $0x1;
	s24 =	simm.s32 $0x15400  }
0x11: {  	s25 =	simm.s32 $0x2;
	s20 =	simm.s32 $0x3400;
	s23 =	smul.u32 $0x300, s6  }
0x12: {  	s0 =	sadd.s32 s5, s0;
	s5 =	sadd.s32 $0x100, s1;
	s11 =	smul.u32 $0x300, s8  }
0x13: {  	s6 =	sadd.s32 $0x200, s1;
	[dreg:$0x5] =	wrdreg s7;
	s26 =	smul.u32 $0x300, s4  }
.Ltmp0:
0x14: {  	s4 =	simm.s32 $0x7;
	s7 =	simm.s32 $0x8;
	(pc) =	sbr.rel .LBB2_1-.Ltmp0, $4  }
0x15: {  	[dreg:$0x4] =	wrdreg s0;
	s0 =	smul.u32 $0x300, s21;
	s10 =	sadd.s32 s10, s3  }
0x16: {  	v2 =	vlaneseq.u32;
	s21 =	simm.s32 $0xBC00;
	s9 =	sadd.s32 s23, s3;
	s11 =	sadd.s32 s11, s3  }
0x17: {  	vm0 =	vmmov $0xffff;
	v1 =	vshrl.u32 v2, $0x3;
	s12 =	sadd.s32 s26, s3;
	s23 =	simm.s32 $0xC400;
	s26 =	simm.s32 $0x12400  }
0x18: {  	v0 =	vand.u32 $0x7, v2;
	v2 =	vor.u32 $0x8, v2;
	v1 =	vmul.u32 $0x8, v1;
	s8 =	sadd.s32 s0, s3;
	s0 =	simm.s32 $0x5;
	s3 =	simm.s32 $0x6  }
.LBB2_4:
0x19: {  	s16 =	simm.s32 $0x9  }
0x1a: {  	_ =	swait.ge [sflag:s16], $0x3000  }
0x1b: {  	[sflag:s16] =	ssyncset.done $0x0  }
0x1c: {  	s19 =	simm.s32 $0xA;
	[sflag:s16] =	ssyncadd.s32 $0xFFFFD000  }
0x1d: {  	_ =	swait.ge [sflag:s19], $0x3000  }
0x1e: {  	[sflag:s19] =	ssyncset.done $0x0  }
0x1f: {  	s22 =	simm.s32 $0xB;
	[sflag:s19] =	ssyncadd.s32 $0xFFFFD000  }
0x20: {  	_ =	swait.ge [sflag:s22], $0x3000  }
0x21: {  	[sflag:s22] =	ssyncset.done $0x0  }
0x22: {  	[sflag:s22] =	ssyncadd.s32 $0xFFFFD000  }
0x23: {  	_ =	swait.ge [sflag:s15], $0x3000  }
0x24: {  	[sflag:s15] =	ssyncset.done $0x0  }
0x25: {  	s17 =	simm.s32 $0xD;
	[sflag:s15] =	ssyncadd.s32 $0xFFFFD000  }
0x26: {  	_ =	swait.ge [sflag:s17], $0x3000  }
0x27: {  	[sflag:s17] =	ssyncset.done $0x0  }
0x28: {  	s18 =	simm.s32 $0xE;
	[sflag:s17] =	ssyncadd.s32 $0xFFFFD000  }
0x29: {  	_ =	swait.ge [sflag:s18], $0x3000  }
0x2a: {  	[sflag:s18] =	ssyncset.done $0x0  }
0x2b: {  	s19 =	simm.s32 $0xF;
	[sflag:s18] =	ssyncadd.s32 $0xFFFFD000  }
0x2c: {  	_ =	swait.ge [sflag:s19], $0x3000  }
0x2d: {  	[sflag:s19] =	ssyncset.done $0x0  }
0x2e: {  	s17 =	simm.s32 $0x10;
	[sflag:s19] =	ssyncadd.s32 $0xFFFFD000  }
0x2f: {  	_ =	swait.ge [sflag:s17], $0x3000  }
0x30: {  	s18 =	rddreg [dreg:$0x6]  }
0x31: {  	s22 =	rddreg [dreg:$0x5];
	s18 =	sadd.s32 $0x1, s18  }
0x32: {  	p0 =	sne.s32 s18, s22  }
.Ltmp1:
0x33: {  	_ = 	snop;
	(pc) =	sbr.rel @!p0 .LBB2_5-.Ltmp1, $3  }
0x34: {  	_ =	sdelay $0x1  }
0x35: {  	[sflag:s17] =	ssyncset.done $0x0  }
0x36: {  	[sflag:s17] =	ssyncadd.s32 $0xFFFFD000  }
.LBB2_1:
0x37: {  	[dreg:$0x6] =	wrdreg s18  }
0x38: {  	s16 =	rddreg [dreg:$0x4]  }
0x39: {  	s17 =	simm.s32 $0x80;
	s22 =	simm.s32 $0x200;
	s19 =	simm.s32 $0x11  }
0x3a: {  	[tilespmem:s2], [sflag:$0x11] =	stream.strided.gather [hbm4b:s16+s17], $0x400, s22, s17, $0x38;
	[tilespmem:$0x18400] =	vst v63  }
0x3b: {  	_ =	swait.ge [sflag:s19], $0x400  }
0x3c: {  	[sflag:s19] =	ssyncset.done $0x0  }
0x3d: {  	[sflag:s19] =	ssyncadd.s32 $0xFFFFFC00  }
0x3e: {  	v3 =	vld [tilespmem:$0x0];
	_ =	sdelay $0x4  }
0x3f: {  	v4 =	vshrl.u32 v3, $0x3  }
0x40: {  	v4 =	vmul.u32 $0x30, v4  }
0x41: {  	v3 =	vand.u32 $0x7, v3  }
0x42: {  	v3 =	vor.u32 v3, v4  }
0x43: {  	v4 =	vperm.xlane v3, v0;
	_ =	sdelay $0x1  }
0x44: {  	v4 =	vadd.s32 v1, v4;
	_ =	sdelay $0x3  }
0x45: {  	s22 =	simm.s32 $0x400;
	v3 =	vperm.xlane v3, v2  }
0x46: {  	[tilespmem:s22], [sflag:$0x1] =	stream.indirect_vreg.gather [hbm4b:s1+s2], $0x80, v4, vm0, $0xb8;
	[tilespmem:$0x18400] =	vst v63  }
0x47: {  	s17 =	simm.s32 $0xC00;
	v3 =	vadd.s32 v1, v3  }
0x48: {  	[tilespmem:s17], [sflag:$0x1] =	stream.indirect_vreg.gather [hbm4b:s5+s2], $0x80, v4, vm0, $0xb8;
	[tilespmem:$0x18400] =	vst v63  }
0x49: {  	s18 =	simm.s32 $0x1400  }
0x4a: {  	[tilespmem:s18], [sflag:$0x1] =	stream.indirect_vreg.gather [hbm4b:s6+s2], $0x80, v4, vm0, $0xb8;
	[tilespmem:$0x18400] =	vst v63  }
0x4b: {  	s19 =	simm.s32 $0x1C00  }
0x4c: {  	[tilespmem:s19], [sflag:$0x1] =	stream.indirect_vreg.gather [hbm4b:s1+s2], $0x80, v3, vm0, $0xb8;
	[tilespmem:$0x18400] =	vst v63  }
0x4d: {  	s22 =	simm.s32 $0x2400  }
0x4e: {  	[tilespmem:s22], [sflag:$0x1] =	stream.indirect_vreg.gather [hbm4b:s5+s2], $0x80, v3, vm0, $0xb8;
	[tilespmem:$0x18400] =	vst v63  }
0x4f: {  	s17 =	simm.s32 $0x2C00  }
0x50: {  	[tilespmem:s17], [sflag:$0x1] =	stream.indirect_vreg.gather [hbm4b:s6+s2], $0x80, v3, vm0, $0xb8;
	[tilespmem:$0x18400] =	vst v63  }
0x51: {  	v3 =	vld [tilespmem:$0x10];
	_ =	sdelay $0x4  }
0x52: {  	v57 =	vshrl.u32 v3, $0x3  }
0x53: {  	v4 =	vmul.u32 $0x30, v57  }
0x54: {  	v3 =	vand.u32 $0x7, v3  }
0x55: {  	v3 =	vor.u32 v3, v4  }
0x56: {  	v4 =	vperm.xlane v3, v0;
	_ =	sdelay $0x1  }
0x57: {  	v4 =	vadd.s32 v1, v4;
	_ =	sdelay $0x3  }
0x58: {  	s18 =	simm.s32 $0x3400;
	v3 =	vperm.xlane v3, v2  }
0x59: {  	[tilespmem:s18], [sflag:$0x2] =	stream.indirect_vreg.gather [hbm4b:s1+s2], $0x80, v4, vm0, $0xb8;
	[tilespmem:$0x18400] =	vst v63  }
0x5a: {  	s19 =	simm.s32 $0x3C00;
	v3 =	vadd.s32 v1, v3  }
0x5b: {  	[tilespmem:s19], [sflag:$0x2] =	stream.indirect_vreg.gather [hbm4b:s5+s2], $0x80, v4, vm0, $0xb8;
	[tilespmem:$0x18400] =	vst v63  }
0x5c: {  	s22 =	simm.s32 $0x4400  }
0x5d: {  	[tilespmem:s22], [sflag:$0x2] =	stream.indirect_vreg.gather [hbm4b:s6+s2], $0x80, v4, vm0, $0xb8;
	[tilespmem:$0x18400] =	vst v63  }
0x5e: {  	s17 =	simm.s32 $0x4C00  }
0x5f: {  	[tilespmem:s17], [sflag:$0x2] =	stream.indirect_vreg.gather [hbm4b:s1+s2], $0x80, v3, vm0, $0xb8;
	[tilespmem:$0x18400] =	vst v63  }
0x60: {  	s18 =	simm.s32 $0x5400  }
0x61: {  	[tilespmem:s18], [sflag:$0x2] =	stream.indirect_vreg.gather [hbm4b:s5+s2], $0x80, v3, vm0, $0xb8;
	[tilespmem:$0x18400] =	vst v63  }
0x62: {  	s19 =	simm.s32 $0x5C00  }
0x63: {  	[tilespmem:s19], [sflag:$0x2] =	stream.indirect_vreg.gather [hbm4b:s6+s2], $0x80, v3, vm0, $0xb8;
	[tilespmem:$0x18400] =	vst v63  }
0x64: {  	v3 =	vld [tilespmem:$0x20];
	_ =	sdelay $0x4  }
0x65: {  	v58 =	vshrl.u32 v3, $0x3  }
0x66: {  	v4 =	vmul.u32 $0x30, v58  }
0x67: {  	v3 =	vand.u32 $0x7, v3  }
0x68: {  	v3 =	vor.u32 v3, v4  }
0x69: {  	v4 =	vperm.xlane v3, v0;
	_ =	sdelay $0x1  }
0x6a: {  	v4 =	vadd.s32 v1, v4;
	_ =	sdelay $0x3  }
0x6b: {  	v3 =	vperm.xlane v3, v2  }
0x6c: {  	[tilespmem:s29], [sflag:$0x3] =	stream.indirect_vreg.gather [hbm4b:s1+s2], $0x80, v4, vm0, $0xb8;
	[tilespmem:$0x18400] =	vst v63  }
0x6d: {  	s22 =	simm.s32 $0x6C00;
	v3 =	vadd.s32 v1, v3  }
0x6e: {  	[tilespmem:s22], [sflag:$0x3] =	stream.indirect_vreg.gather [hbm4b:s5+s2], $0x80, v4, vm0, $0xb8;
	[tilespmem:$0x18400] =	vst v63  }
0x6f: {  	s17 =	simm.s32 $0x7400  }
0x70: {  	[tilespmem:s17], [sflag:$0x3] =	stream.indirect_vreg.gather [hbm4b:s6+s2], $0x80, v4, vm0, $0xb8;
	[tilespmem:$0x18400] =	vst v63  }
0x71: {  	s18 =	simm.s32 $0x7C00  }
0x72: {  	[tilespmem:s18], [sflag:$0x3] =	stream.indirect_vreg.gather [hbm4b:s1+s2], $0x80, v3, vm0, $0xb8;
	[tilespmem:$0x18400] =	vst v63  }
0x73: {  	s19 =	simm.s32 $0x8400  }
0x74: {  	[tilespmem:s19], [sflag:$0x3] =	stream.indirect_vreg.gather [hbm4b:s5+s2], $0x80, v3, vm0, $0xb8;
	[tilespmem:$0x18400] =	vst v63  }
0x75: {  	s22 =	simm.s32 $0x8C00  }
0x76: {  	[tilespmem:s22], [sflag:$0x3] =	stream.indirect_vreg.gather [hbm4b:s6+s2], $0x80, v3, vm0, $0xb8;
	[tilespmem:$0x18400] =	vst v63  }
0x77: {  	v3 =	vld [tilespmem:$0x30];
	_ =	sdelay $0x4  }
0x78: {  	v59 =	vshrl.u32 v3, $0x3  }
0x79: {  	v4 =	vmul.u32 $0x30, v59  }
0x7a: {  	v3 =	vand.u32 $0x7, v3  }
0x7b: {  	v3 =	vor.u32 v3, v4  }
0x7c: {  	v4 =	vperm.xlane v3, v0;
	_ =	sdelay $0x1  }
0x7d: {  	v4 =	vadd.s32 v1, v4;
	_ =	sdelay $0x3  }
0x7e: {  	v3 =	vperm.xlane v3, v2  }
0x7f: {  	[tilespmem:s14], [sflag:$0x4] =	stream.indirect_vreg.gather [hbm4b:s1+s2], $0x80, v4, vm0, $0xb8;
	[tilespmem:$0x18400] =	vst v63  }
0x80: {  	s17 =	simm.s32 $0x9C00;
	v3 =	vadd.s32 v1, v3  }
0x81: {  	[tilespmem:s17], [sflag:$0x4] =	stream.indirect_vreg.gather [hbm4b:s5+s2], $0x80, v4, vm0, $0xb8;
	[tilespmem:$0x18400] =	vst v63  }
0x82: {  	s18 =	simm.s32 $0xA400  }
0x83: {  	[tilespmem:s18], [sflag:$0x4] =	stream.indirect_vreg.gather [hbm4b:s6+s2], $0x80, v4, vm0, $0xb8;
	[tilespmem:$0x18400] =	vst v63  }
0x84: {  	s19 =	simm.s32 $0xAC00  }
0x85: {  	[tilespmem:s19], [sflag:$0x4] =	stream.indirect_vreg.gather [hbm4b:s1+s2], $0x80, v3, vm0, $0xb8;
	[tilespmem:$0x18400] =	vst v63  }
0x86: {  	s22 =	simm.s32 $0xB400  }
0x87: {  	[tilespmem:s22], [sflag:$0x4] =	stream.indirect_vreg.gather [hbm4b:s5+s2], $0x80, v3, vm0, $0xb8;
	[tilespmem:$0x18400] =	vst v63  }
0x88: {  	_ = 	snop  }
0x89: {  	[tilespmem:s21], [sflag:$0x4] =	stream.indirect_vreg.gather [hbm4b:s6+s2], $0x80, v3, vm0, $0xb8;
	[tilespmem:$0x18400] =	vst v63  }
0x8a: {  	v3 =	vld [tilespmem:$0x40];
	_ =	sdelay $0x4  }
0x8b: {  	v60 =	vshrl.u32 v3, $0x3  }
0x8c: {  	v4 =	vmul.u32 $0x30, v60  }
0x8d: {  	v3 =	vand.u32 $0x7, v3  }
0x8e: {  	v3 =	vor.u32 v3, v4  }
0x8f: {  	v4 =	vperm.xlane v3, v0;
	_ =	sdelay $0x1  }
0x90: {  	v4 =	vadd.s32 v1, v4;
	_ =	sdelay $0x3  }
0x91: {  	v3 =	vperm.xlane v3, v2  }
0x92: {  	[tilespmem:s23], [sflag:$0x5] =	stream.indirect_vreg.gather [hbm4b:s1+s2], $0x80, v4, vm0, $0xb8;
	[tilespmem:$0x18400] =	vst v63  }
0x93: {  	s17 =	simm.s32 $0xCC00;
	v3 =	vadd.s32 v1, v3  }
0x94: {  	[tilespmem:s17], [sflag:$0x5] =	stream.indirect_vreg.gather [hbm4b:s5+s2], $0x80, v4, vm0, $0xb8;
	[tilespmem:$0x18400] =	vst v63  }
0x95: {  	s18 =	simm.s32 $0xD400  }
0x96: {  	[tilespmem:s18], [sflag:$0x5] =	stream.indirect_vreg.gather [hbm4b:s6+s2], $0x80, v4, vm0, $0xb8;
	[tilespmem:$0x18400] =	vst v63  }
0x97: {  	s19 =	simm.s32 $0xDC00  }
0x98: {  	[tilespmem:s19], [sflag:$0x5] =	stream.indirect_vreg.gather [hbm4b:s1+s2], $0x80, v3, vm0, $0xb8;
	[tilespmem:$0x18400] =	vst v63  }
0x99: {  	s22 =	simm.s32 $0xE400  }
0x9a: {  	[tilespmem:s22], [sflag:$0x5] =	stream.indirect_vreg.gather [hbm4b:s5+s2], $0x80, v3, vm0, $0xb8;
	[tilespmem:$0x18400] =	vst v63  }
0x9b: {  	s17 =	simm.s32 $0xEC00  }
0x9c: {  	[tilespmem:s17], [sflag:$0x5] =	stream.indirect_vreg.gather [hbm4b:s6+s2], $0x80, v3, vm0, $0xb8;
	[tilespmem:$0x18400] =	vst v63  }
0x9d: {  	v3 =	vld [tilespmem:$0x50];
	_ =	sdelay $0x4  }
0x9e: {  	v61 =	vshrl.u32 v3, $0x3  }
0x9f: {  	v4 =	vmul.u32 $0x30, v61  }
0xa0: {  	v3 =	vand.u32 $0x7, v3  }
0xa1: {  	v3 =	vor.u32 v3, v4  }
0xa2: {  	v4 =	vperm.xlane v3, v0;
	_ =	sdelay $0x1  }
0xa3: {  	v4 =	vadd.s32 v1, v4;
	_ =	sdelay $0x3  }
0xa4: {  	v3 =	vperm.xlane v3, v2  }
0xa5: {  	[tilespmem:s31], [sflag:$0x6] =	stream.indirect_vreg.gather [hbm4b:s1+s2], $0x80, v4, vm0, $0xb8;
	[tilespmem:$0x18400] =	vst v63  }
0xa6: {  	s18 =	simm.s32 $0xFC00;
	v3 =	vadd.s32 v1, v3  }
0xa7: {  	[tilespmem:s18], [sflag:$0x6] =	stream.indirect_vreg.gather [hbm4b:s5+s2], $0x80, v4, vm0, $0xb8;
	[tilespmem:$0x18400] =	vst v63  }
0xa8: {  	s19 =	simm.s32 $0x10400  }
0xa9: {  	[tilespmem:s19], [sflag:$0x6] =	stream.indirect_vreg.gather [hbm4b:s6+s2], $0x80, v4, vm0, $0xb8;
	[tilespmem:$0x18400] =	vst v63  }
0xaa: {  	s22 =	simm.s32 $0x10C00  }
0xab: {  	[tilespmem:s22], [sflag:$0x6] =	stream.indirect_vreg.gather [hbm4b:s1+s2], $0x80, v3, vm0, $0xb8;
	[tilespmem:$0x18400] =	vst v63  }
0xac: {  	s17 =	simm.s32 $0x11400  }
0xad: {  	[tilespmem:s17], [sflag:$0x6] =	stream.indirect_vreg.gather [hbm4b:s5+s2], $0x80, v3, vm0, $0xb8;
	[tilespmem:$0x18400] =	vst v63  }
0xae: {  	s18 =	simm.s32 $0x11C00  }
0xaf: {  	[tilespmem:s18], [sflag:$0x6] =	stream.indirect_vreg.gather [hbm4b:s6+s2], $0x80, v3, vm0, $0xb8;
	[tilespmem:$0x18400] =	vst v63  }
0xb0: {  	v3 =	vld [tilespmem:$0x60];
	_ =	sdelay $0x4  }
0xb1: {  	v62 =	vshrl.u32 v3, $0x3  }
0xb2: {  	v4 =	vmul.u32 $0x30, v62  }
0xb3: {  	v3 =	vand.u32 $0x7, v3  }
0xb4: {  	v3 =	vor.u32 v3, v4  }
0xb5: {  	v4 =	vperm.xlane v3, v0;
	_ =	sdelay $0x1  }
0xb6: {  	v4 =	vadd.s32 v1, v4;
	_ =	sdelay $0x3  }
0xb7: {  	v3 =	vperm.xlane v3, v2  }
0xb8: {  	[tilespmem:s26], [sflag:$0x7] =	stream.indirect_vreg.gather [hbm4b:s1+s2], $0x80, v4, vm0, $0xb8;
	[tilespmem:$0x18400] =	vst v63  }
0xb9: {  	s19 =	simm.s32 $0x12C00;
	v3 =	vadd.s32 v1, v3  }
0xba: {  	[tilespmem:s19], [sflag:$0x7] =	stream.indirect_vreg.gather [hbm4b:s5+s2], $0x80, v4, vm0, $0xb8;
	[tilespmem:$0x18400] =	vst v63  }
0xbb: {  	s22 =	simm.s32 $0x13400  }
0xbc: {  	[tilespmem:s22], [sflag:$0x7] =	stream.indirect_vreg.gather [hbm4b:s6+s2], $0x80, v4, vm0, $0xb8;
	[tilespmem:$0x18400] =	vst v63  }
0xbd: {  	s17 =	simm.s32 $0x13C00  }
0xbe: {  	[tilespmem:s17], [sflag:$0x7] =	stream.indirect_vreg.gather [hbm4b:s1+s2], $0x80, v3, vm0, $0xb8;
	[tilespmem:$0x18400] =	vst v63  }
0xbf: {  	s18 =	simm.s32 $0x14400  }
0xc0: {  	[tilespmem:s18], [sflag:$0x7] =	stream.indirect_vreg.gather [hbm4b:s5+s2], $0x80, v3, vm0, $0xb8;
	[tilespmem:$0x18400] =	vst v63  }
0xc1: {  	s19 =	simm.s32 $0x14C00  }
0xc2: {  	[tilespmem:s19], [sflag:$0x7] =	stream.indirect_vreg.gather [hbm4b:s6+s2], $0x80, v3, vm0, $0xb8;
	[tilespmem:$0x18400] =	vst v63  }
0xc3: {  	v3 =	vld [tilespmem:$0x70];
	_ =	sdelay $0x4  }
0xc4: {  	v63 =	vshrl.u32 v3, $0x3  }
0xc5: {  	v4 =	vmul.u32 $0x30, v63  }
0xc6: {  	v3 =	vand.u32 $0x7, v3  }
0xc7: {  	v3 =	vor.u32 v3, v4  }
0xc8: {  	v4 =	vperm.xlane v3, v0;
	_ =	sdelay $0x1  }
0xc9: {  	v4 =	vadd.s32 v1, v4;
	_ =	sdelay $0x3  }
0xca: {  	v3 =	vperm.xlane v3, v2  }
0xcb: {  	[tilespmem:s24], [sflag:$0x8] =	stream.indirect_vreg.gather [hbm4b:s1+s2], $0x80, v4, vm0, $0xb8;
	[tilespmem:$0x18400] =	vst v63  }
0xcc: {  	s22 =	simm.s32 $0x15C00;
	v3 =	vadd.s32 v1, v3  }
0xcd: {  	[tilespmem:s22], [sflag:$0x8] =	stream.indirect_vreg.gather [hbm4b:s5+s2], $0x80, v4, vm0, $0xb8;
	[tilespmem:$0x18400] =	vst v63  }
0xce: {  	s17 =	simm.s32 $0x16400  }
0xcf: {  	[tilespmem:s17], [sflag:$0x8] =	stream.indirect_vreg.gather [hbm4b:s6+s2], $0x80, v4, vm0, $0xb8;
	[tilespmem:$0x18400] =	vst v63  }
0xd0: {  	s18 =	simm.s32 $0x16C00  }
0xd1: {  	[tilespmem:s18], [sflag:$0x8] =	stream.indirect_vreg.gather [hbm4b:s1+s2], $0x80, v3, vm0, $0xb8;
	[tilespmem:$0x18400] =	vst v63  }
0xd2: {  	s19 =	simm.s32 $0x17400  }
0xd3: {  	[tilespmem:s19], [sflag:$0x8] =	stream.indirect_vreg.gather [hbm4b:s5+s2], $0x80, v3, vm0, $0xb8;
	[tilespmem:$0x18400] =	vst v63  }
0xd4: {  	s16 =	simm.s32 $0x60;
	s22 =	simm.s32 $0x17C00;
	s17 =	simm.s32 $0x0  }
0xd5: {  	[tilespmem:s22], [sflag:$0x8] =	stream.indirect_vreg.gather [hbm4b:s6+s2], $0x80, v3, vm0, $0xb8;
	[tilespmem:$0x18400] =	vst v63  }
.LBB2_2:
0xd6: {  	_ =	swait.ge [sflag:s13], $0x3000  }
0xd7: {  	s19 =	sadd.s32 s17, s10;
	[sflag:s13] =	ssyncset.done $0x0  }
0xd8: {  	s18 =	simm.s32 $0x400;
	p0 =	seq.s32 s17, $0x0;
	[sflag:s13] =	ssyncadd.s32 $0xFFFFD000  }
0xd9: {  	[hbm4b:s19+s2] =	stream.linear.scatter [tilespmem:s18], [sflag:$0x9], $0x3000, $0x38;
	[tilespmem:$0x18400] =	vst v63  }
0xda: {  	s18 =	simm.s32 @!p0 $0xD  }
0xdb: {  	_ =	swait.ge @!p0 [sflag:s18], $0x3000  }
0xdc: {  	[sflag:s18] =	ssyncset.done @!p0 $0x0  }
0xdd: {  	[sflag:s18] =	ssyncadd.s32 @!p0 $0xFFFFD000  }
0xde: {  	v3 =	vld @!p0 [tilespmem:s16+$0xFFFFFFE0];
	_ =	sdelay $0x4  }
0xdf: {  	v4 =	vshrl.u32 @!p0 v3, $0x3  }
0xe0: {  	v4 =	vmul.u32 @!p0 $0x30, v4  }
0xe1: {  	v5 =	vlaneseq.u32 @!p0;
	v3 =	vand.u32 @!p0 $0x7, v3  }
0xe2: {  	v6 =	vshrl.u32 @!p0 v5, $0x3;
	v3 =	vor.u32 @!p0 v3, v4;
	v4 =	vand.u32 @!p0 $0x7, v5  }
0xe3: {  	v6 =	vmul.u32 @!p0 $0x8, v6;
	v7 =	vperm.xlane @!p0 v3, v4;
	_ =	sdelay $0x1  }
0xe4: {  	v7 =	vadd.s32 @!p0 v6, v7;
	_ =	sdelay $0x2  }
0xe5: {  	v5 =	vor.u32 @!p0 $0x8, v5  }
0xe6: {  	vm1 =	vmmov @!p0 $0xffff;
	s22 =	simm.s32 @!p0 $0xC400;
	s18 =	simm.s32 @!p0 $0x0;
	v3 =	vperm.xlane @!p0 v3, v5  }
0xe7: {  	[tilespmem:s22], [sflag:$0x5] =	stream.indirect_vreg.gather @!p0 [hbm4b:s1+s18], $0x80, v7, vm1, $0xb8;
	[tilespmem:$0x18400] =	vst v63  }
0xe8: {  	v3 =	vadd.s32 @!p0 v6, v3;
	s22 =	simm.s32 @!p0 $0xCC00  }
0xe9: {  	[tilespmem:s22], [sflag:$0x5] =	stream.indirect_vreg.gather @!p0 [hbm4b:s5+s18], $0x80, v7, vm1, $0xb8;
	[tilespmem:$0x18400] =	vst v63  }
0xea: {  	s22 =	simm.s32 @!p0 $0xD400  }
0xeb: {  	[tilespmem:s22], [sflag:$0x5] =	stream.indirect_vreg.gather @!p0 [hbm4b:s6+s18], $0x80, v7, vm1, $0xb8;
	[tilespmem:$0x18400] =	vst v63  }
0xec: {  	s22 =	simm.s32 @!p0 $0xDC00  }
0xed: {  	[tilespmem:s22], [sflag:$0x5] =	stream.indirect_vreg.gather @!p0 [hbm4b:s1+s18], $0x80, v3, vm1, $0xb8;
	[tilespmem:$0x18400] =	vst v63  }
0xee: {  	s22 =	simm.s32 @!p0 $0xE400  }
0xef: {  	[tilespmem:s22], [sflag:$0x5] =	stream.indirect_vreg.gather @!p0 [hbm4b:s5+s18], $0x80, v3, vm1, $0xb8;
	[tilespmem:$0x18400] =	vst v63  }
0xf0: {  	s22 =	simm.s32 @!p0 $0xEC00  }
0xf1: {  	[tilespmem:s22], [sflag:$0x5] =	stream.indirect_vreg.gather @!p0 [hbm4b:s6+s18], $0x80, v3, vm1, $0xb8;
	[tilespmem:$0x18400] =	vst v63  }
0xf2: {  	_ =	swait.ge [sflag:s25], $0x3000  }
0xf3: {  	[sflag:s25] =	ssyncset.done $0x0  }
0xf4: {  	s22 =	sadd.s32 $0x600, s19;
	[sflag:s25] =	ssyncadd.s32 $0xFFFFD000  }
0xf5: {  	[hbm4b:s22+s2] =	stream.linear.scatter [tilespmem:s20], [sflag:$0xA], $0x3000, $0x38;
	[tilespmem:$0x18400] =	vst v63  }
0xf6: {  	s22 =	simm.s32 @!p0 $0xE  }
0xf7: {  	_ =	swait.ge @!p0 [sflag:s22], $0x3000  }
0xf8: {  	[sflag:s22] =	ssyncset.done @!p0 $0x0  }
0xf9: {  	[sflag:s22] =	ssyncadd.s32 @!p0 $0xFFFFD000  }
0xfa: {  	v3 =	vld @!p0 [tilespmem:s16+$0xFFFFFFF0];
	_ =	sdelay $0x4  }
0xfb: {  	v7 =	vshrl.u32 @!p0 v3, $0x3  }
0xfc: {  	v7 =	vmul.u32 @!p0 $0x30, v7  }
0xfd: {  	v3 =	vand.u32 @!p0 $0x7, v3  }
0xfe: {  	v3 =	vor.u32 @!p0 v3, v7  }
0xff: {  	v7 =	vperm.xlane @!p0 v3, v4;
	_ =	sdelay $0x1  }
0x100: {  	v7 =	vadd.s32 @!p0 v6, v7;
	_ =	sdelay $0x3  }
0x101: {  	s22 =	simm.s32 @!p0 $0xF400;
	v3 =	vperm.xlane @!p0 v3, v5  }
0x102: {  	[tilespmem:s22], [sflag:$0x6] =	stream.indirect_vreg.gather @!p0 [hbm4b:s1+s18], $0x80, v7, vm1, $0xb8;
	[tilespmem:$0x18400] =	vst v63  }
0x103: {  	v3 =	vadd.s32 @!p0 v6, v3;
	s22 =	simm.s32 @!p0 $0xFC00  }
0x104: {  	[tilespmem:s22], [sflag:$0x6] =	stream.indirect_vreg.gather @!p0 [hbm4b:s5+s18], $0x80, v7, vm1, $0xb8;
	[tilespmem:$0x18400] =	vst v63  }
0x105: {  	s22 =	simm.s32 @!p0 $0x10400  }
0x106: {  	[tilespmem:s22], [sflag:$0x6] =	stream.indirect_vreg.gather @!p0 [hbm4b:s6+s18], $0x80, v7, vm1, $0xb8;
	[tilespmem:$0x18400] =	vst v63  }
0x107: {  	s22 =	simm.s32 @!p0 $0x10C00  }
0x108: {  	[tilespmem:s22], [sflag:$0x6] =	stream.indirect_vreg.gather @!p0 [hbm4b:s1+s18], $0x80, v3, vm1, $0xb8;
	[tilespmem:$0x18400] =	vst v63  }
0x109: {  	s22 =	simm.s32 @!p0 $0x11400  }
0x10a: {  	[tilespmem:s22], [sflag:$0x6] =	stream.indirect_vreg.gather @!p0 [hbm4b:s5+s18], $0x80, v3, vm1, $0xb8;
	[tilespmem:$0x18400] =	vst v63  }
0x10b: {  	s22 =	simm.s32 @!p0 $0x11C00  }
0x10c: {  	[tilespmem:s22], [sflag:$0x6] =	stream.indirect_vreg.gather @!p0 [hbm4b:s6+s18], $0x80, v3, vm1, $0xb8;
	[tilespmem:$0x18400] =	vst v63  }
0x10d: {  	_ =	swait.ge [sflag:s28], $0x3000  }
0x10e: {  	[sflag:s28] =	ssyncset.done $0x0  }
0x10f: {  	s22 =	sadd.s32 $0xC00, s19;
	[sflag:s28] =	ssyncadd.s32 $0xFFFFD000  }
0x110: {  	[hbm4b:s22+s2] =	stream.linear.scatter [tilespmem:s29], [sflag:$0xB], $0x3000, $0x38;
	[tilespmem:$0x18400] =	vst v63  }
0x111: {  	s22 =	simm.s32 @!p0 $0xF  }
0x112: {  	_ =	swait.ge @!p0 [sflag:s22], $0x3000  }
0x113: {  	[sflag:s22] =	ssyncset.done @!p0 $0x0  }
0x114: {  	[sflag:s22] =	ssyncadd.s32 @!p0 $0xFFFFD000  }
0x115: {  	v3 =	vld @!p0 [tilespmem:s16+$0x0];
	_ =	sdelay $0x4  }
0x116: {  	v7 =	vshrl.u32 @!p0 v3, $0x3  }
0x117: {  	v7 =	vmul.u32 @!p0 $0x30, v7  }
0x118: {  	v3 =	vand.u32 @!p0 $0x7, v3  }
0x119: {  	v3 =	vor.u32 @!p0 v3, v7  }
0x11a: {  	v7 =	vperm.xlane @!p0 v3, v4;
	_ =	sdelay $0x1  }
0x11b: {  	v7 =	vadd.s32 @!p0 v6, v7;
	_ =	sdelay $0x3  }
0x11c: {  	s22 =	simm.s32 @!p0 $0x12400;
	v3 =	vperm.xlane @!p0 v3, v5  }
0x11d: {  	[tilespmem:s22], [sflag:$0x7] =	stream.indirect_vreg.gather @!p0 [hbm4b:s1+s18], $0x80, v7, vm1, $0xb8;
	[tilespmem:$0x18400] =	vst v63  }
0x11e: {  	v3 =	vadd.s32 @!p0 v6, v3;
	s22 =	simm.s32 @!p0 $0x12C00  }
0x11f: {  	[tilespmem:s22], [sflag:$0x7] =	stream.indirect_vreg.gather @!p0 [hbm4b:s5+s18], $0x80, v7, vm1, $0xb8;
	[tilespmem:$0x18400] =	vst v63  }
0x120: {  	s22 =	simm.s32 @!p0 $0x13400  }
0x121: {  	[tilespmem:s22], [sflag:$0x7] =	stream.indirect_vreg.gather @!p0 [hbm4b:s6+s18], $0x80, v7, vm1, $0xb8;
	[tilespmem:$0x18400] =	vst v63  }
0x122: {  	s22 =	simm.s32 @!p0 $0x13C00  }
0x123: {  	[tilespmem:s22], [sflag:$0x7] =	stream.indirect_vreg.gather @!p0 [hbm4b:s1+s18], $0x80, v3, vm1, $0xb8;
	[tilespmem:$0x18400] =	vst v63  }
0x124: {  	s22 =	simm.s32 @!p0 $0x14400  }
0x125: {  	[tilespmem:s22], [sflag:$0x7] =	stream.indirect_vreg.gather @!p0 [hbm4b:s5+s18], $0x80, v3, vm1, $0xb8;
	[tilespmem:$0x18400] =	vst v63  }
0x126: {  	s22 =	simm.s32 @!p0 $0x14C00  }
0x127: {  	[tilespmem:s22], [sflag:$0x7] =	stream.indirect_vreg.gather @!p0 [hbm4b:s6+s18], $0x80, v3, vm1, $0xb8;
	[tilespmem:$0x18400] =	vst v63  }
0x128: {  	_ =	swait.ge [sflag:s30], $0x3000  }
0x129: {  	[sflag:s30] =	ssyncset.done $0x0  }
0x12a: {  	s19 =	sadd.s32 $0x1200, s19;
	[sflag:s30] =	ssyncadd.s32 $0xFFFFD000  }
0x12b: {  	[hbm4b:s19+s2] =	stream.linear.scatter [tilespmem:s14], [sflag:$0xC], $0x3000, $0x38;
	[tilespmem:$0x18400] =	vst v63  }
0x12c: {  	s19 =	simm.s32 @!p0 $0x10  }
0x12d: {  	_ =	swait.ge @!p0 [sflag:s19], $0x3000  }
0x12e: {  	[sflag:s19] =	ssyncset.done @!p0 $0x0  }
0x12f: {  	[sflag:s19] =	ssyncadd.s32 @!p0 $0xFFFFD000  }
0x130: {  	v3 =	vld @!p0 [tilespmem:s16+$0x10];
	_ =	sdelay $0x4  }
0x131: {  	v7 =	vshrl.u32 @!p0 v3, $0x3  }
0x132: {  	v7 =	vmul.u32 @!p0 $0x30, v7  }
0x133: {  	v3 =	vand.u32 @!p0 $0x7, v3  }
0x134: {  	v3 =	vor.u32 @!p0 v3, v7  }
0x135: {  	v4 =	vperm.xlane @!p0 v3, v4;
	_ =	sdelay $0x1  }
0x136: {  	v4 =	vadd.s32 @!p0 v6, v4;
	_ =	sdelay $0x3  }
0x137: {  	s19 =	simm.s32 @!p0 $0x15400;
	v3 =	vperm.xlane @!p0 v3, v5  }
0x138: {  	[tilespmem:s19], [sflag:$0x8] =	stream.indirect_vreg.gather @!p0 [hbm4b:s1+s18], $0x80, v4, vm1, $0xb8;
	[tilespmem:$0x18400] =	vst v63  }
0x139: {  	v3 =	vadd.s32 @!p0 v6, v3;
	s19 =	simm.s32 @!p0 $0x15C00  }
0x13a: {  	[tilespmem:s19], [sflag:$0x8] =	stream.indirect_vreg.gather @!p0 [hbm4b:s5+s18], $0x80, v4, vm1, $0xb8;
	[tilespmem:$0x18400] =	vst v63  }
0x13b: {  	s19 =	simm.s32 @!p0 $0x16400  }
0x13c: {  	[tilespmem:s19], [sflag:$0x8] =	stream.indirect_vreg.gather @!p0 [hbm4b:s6+s18], $0x80, v4, vm1, $0xb8;
	[tilespmem:$0x18400] =	vst v63  }
0x13d: {  	s19 =	simm.s32 @!p0 $0x16C00  }
0x13e: {  	[tilespmem:s19], [sflag:$0x8] =	stream.indirect_vreg.gather @!p0 [hbm4b:s1+s18], $0x80, v3, vm1, $0xb8;
	[tilespmem:$0x18400] =	vst v63  }
0x13f: {  	s19 =	simm.s32 @!p0 $0x17400  }
0x140: {  	[tilespmem:s19], [sflag:$0x8] =	stream.indirect_vreg.gather @!p0 [hbm4b:s5+s18], $0x80, v3, vm1, $0xb8;
	[tilespmem:$0x18400] =	vst v63  }
0x141: {  	s19 =	simm.s32 @!p0 $0x17C00  }
0x142: {  	[tilespmem:s19], [sflag:$0x8] =	stream.indirect_vreg.gather @!p0 [hbm4b:s6+s18], $0x80, v3, vm1, $0xb8;
	[tilespmem:$0x18400] =	vst v63  }
0x143: {  	_ =	swait.ge [sflag:s0], $0x3000  }
0x144: {  	p0 =	seq.s32 s17, $0x15000;
	[sflag:s0] =	ssyncset.done $0x0  }
0x145: {  	s19 =	sadd.s32 s17, s8;
	s18 =	simm.s32 @!p0 $0x9;
	[sflag:s0] =	ssyncadd.s32 $0xFFFFD000  }
0x146: {  	[hbm4b:s19+s2] =	stream.linear.scatter [tilespmem:s23], [sflag:$0xD], $0x3000, $0x38;
	[tilespmem:$0x18400] =	vst v63  }
0x147: {  	_ =	swait.ge @!p0 [sflag:s18], $0x3000  }
0x148: {  	[sflag:s18] =	ssyncset.done @!p0 $0x0  }
0x149: {  	[sflag:s18] =	ssyncadd.s32 @!p0 $0xFFFFD000  }
0x14a: {  	v3 =	vld @!p0 [tilespmem:s16+$0x20];
	_ =	sdelay $0x4  }
0x14b: {  	v4 =	vshrl.u32 @!p0 v3, $0x3  }
0x14c: {  	v4 =	vmul.u32 @!p0 $0x30, v4  }
0x14d: {  	v5 =	vlaneseq.u32 @!p0;
	v3 =	vand.u32 @!p0 $0x7, v3  }
0x14e: {  	v6 =	vshrl.u32 @!p0 v5, $0x3;
	v3 =	vor.u32 @!p0 v3, v4;
	v4 =	vand.u32 @!p0 $0x7, v5  }
0x14f: {  	v6 =	vmul.u32 @!p0 $0x8, v6;
	v7 =	vperm.xlane @!p0 v3, v4;
	_ =	sdelay $0x1  }
0x150: {  	v7 =	vadd.s32 @!p0 v6, v7;
	_ =	sdelay $0x2  }
0x151: {  	v5 =	vor.u32 @!p0 $0x8, v5  }
0x152: {  	vm1 =	vmmov @!p0 $0xffff;
	s19 =	simm.s32 @!p0 $0x400;
	s18 =	simm.s32 @!p0 $0x0;
	v3 =	vperm.xlane @!p0 v3, v5  }
0x153: {  	[tilespmem:s19], [sflag:$0x1] =	stream.indirect_vreg.gather @!p0 [hbm4b:s1+s18], $0x80, v7, vm1, $0xb8;
	[tilespmem:$0x18400] =	vst v63  }
0x154: {  	v3 =	vadd.s32 @!p0 v6, v3;
	s19 =	simm.s32 @!p0 $0xC00  }
0x155: {  	[tilespmem:s19], [sflag:$0x1] =	stream.indirect_vreg.gather @!p0 [hbm4b:s5+s18], $0x80, v7, vm1, $0xb8;
	[tilespmem:$0x18400] =	vst v63  }
0x156: {  	s19 =	simm.s32 @!p0 $0x1400  }
0x157: {  	[tilespmem:s19], [sflag:$0x1] =	stream.indirect_vreg.gather @!p0 [hbm4b:s6+s18], $0x80, v7, vm1, $0xb8;
	[tilespmem:$0x18400] =	vst v63  }
0x158: {  	s19 =	simm.s32 @!p0 $0x1C00  }
0x159: {  	[tilespmem:s19], [sflag:$0x1] =	stream.indirect_vreg.gather @!p0 [hbm4b:s1+s18], $0x80, v3, vm1, $0xb8;
	[tilespmem:$0x18400] =	vst v63  }
0x15a: {  	s19 =	simm.s32 @!p0 $0x2400  }
0x15b: {  	[tilespmem:s19], [sflag:$0x1] =	stream.indirect_vreg.gather @!p0 [hbm4b:s5+s18], $0x80, v3, vm1, $0xb8;
	[tilespmem:$0x18400] =	vst v63  }
0x15c: {  	s19 =	simm.s32 @!p0 $0x2C00  }
0x15d: {  	[tilespmem:s19], [sflag:$0x1] =	stream.indirect_vreg.gather @!p0 [hbm4b:s6+s18], $0x80, v3, vm1, $0xb8;
	[tilespmem:$0x18400] =	vst v63  }
0x15e: {  	_ =	swait.ge [sflag:s3], $0x3000  }
0x15f: {  	[sflag:s3] =	ssyncset.done $0x0  }
0x160: {  	s22 =	sadd.s32 s17, s9;
	s19 =	simm.s32 @!p0 $0xA;
	[sflag:s3] =	ssyncadd.s32 $0xFFFFD000  }
0x161: {  	[hbm4b:s22+s2] =	stream.linear.scatter [tilespmem:s31], [sflag:$0xE], $0x3000, $0x38;
	[tilespmem:$0x18400] =	vst v63  }
0x162: {  	_ =	swait.ge @!p0 [sflag:s19], $0x3000  }
0x163: {  	[sflag:s19] =	ssyncset.done @!p0 $0x0  }
0x164: {  	[sflag:s19] =	ssyncadd.s32 @!p0 $0xFFFFD000  }
0x165: {  	v3 =	vld @!p0 [tilespmem:s16+$0x30];
	_ =	sdelay $0x4  }
0x166: {  	v7 =	vshrl.u32 @!p0 v3, $0x3  }
0x167: {  	v7 =	vmul.u32 @!p0 $0x30, v7  }
0x168: {  	v3 =	vand.u32 @!p0 $0x7, v3  }
0x169: {  	v3 =	vor.u32 @!p0 v3, v7  }
0x16a: {  	v7 =	vperm.xlane @!p0 v3, v4;
	_ =	sdelay $0x1  }
0x16b: {  	v7 =	vadd.s32 @!p0 v6, v7;
	_ =	sdelay $0x3  }
0x16c: {  	s19 =	simm.s32 @!p0 $0x3400;
	v3 =	vperm.xlane @!p0 v3, v5  }
0x16d: {  	[tilespmem:s19], [sflag:$0x2] =	stream.indirect_vreg.gather @!p0 [hbm4b:s1+s18], $0x80, v7, vm1, $0xb8;
	[tilespmem:$0x18400] =	vst v63  }
0x16e: {  	v3 =	vadd.s32 @!p0 v6, v3;
	s19 =	simm.s32 @!p0 $0x3C00  }
0x16f: {  	[tilespmem:s19], [sflag:$0x2] =	stream.indirect_vreg.gather @!p0 [hbm4b:s5+s18], $0x80, v7, vm1, $0xb8;
	[tilespmem:$0x18400] =	vst v63  }
0x170: {  	s19 =	simm.s32 @!p0 $0x4400  }
0x171: {  	[tilespmem:s19], [sflag:$0x2] =	stream.indirect_vreg.gather @!p0 [hbm4b:s6+s18], $0x80, v7, vm1, $0xb8;
	[tilespmem:$0x18400] =	vst v63  }
0x172: {  	s19 =	simm.s32 @!p0 $0x4C00  }
0x173: {  	[tilespmem:s19], [sflag:$0x2] =	stream.indirect_vreg.gather @!p0 [hbm4b:s1+s18], $0x80, v3, vm1, $0xb8;
	[tilespmem:$0x18400] =	vst v63  }
0x174: {  	s19 =	simm.s32 @!p0 $0x5400  }
0x175: {  	[tilespmem:s19], [sflag:$0x2] =	stream.indirect_vreg.gather @!p0 [hbm4b:s5+s18], $0x80, v3, vm1, $0xb8;
	[tilespmem:$0x18400] =	vst v63  }
0x176: {  	s19 =	simm.s32 @!p0 $0x5C00  }
0x177: {  	[tilespmem:s19], [sflag:$0x2] =	stream.indirect_vreg.gather @!p0 [hbm4b:s6+s18], $0x80, v3, vm1, $0xb8;
	[tilespmem:$0x18400] =	vst v63  }
0x178: {  	_ =	swait.ge [sflag:s4], $0x3000  }
0x179: {  	[sflag:s4] =	ssyncset.done $0x0  }
0x17a: {  	s22 =	sadd.s32 s17, s11;
	s19 =	simm.s32 @!p0 $0xB;
	[sflag:s4] =	ssyncadd.s32 $0xFFFFD000  }
0x17b: {  	[hbm4b:s22+s2] =	stream.linear.scatter [tilespmem:s26], [sflag:$0xF], $0x3000, $0x38;
	[tilespmem:$0x18400] =	vst v63  }
0x17c: {  	_ =	swait.ge @!p0 [sflag:s19], $0x3000  }
0x17d: {  	[sflag:s19] =	ssyncset.done @!p0 $0x0  }
0x17e: {  	[sflag:s19] =	ssyncadd.s32 @!p0 $0xFFFFD000  }
0x17f: {  	v3 =	vld @!p0 [tilespmem:s16+$0x40];
	_ =	sdelay $0x4  }
0x180: {  	v7 =	vshrl.u32 @!p0 v3, $0x3  }
0x181: {  	v7 =	vmul.u32 @!p0 $0x30, v7  }
0x182: {  	v3 =	vand.u32 @!p0 $0x7, v3  }
0x183: {  	v3 =	vor.u32 @!p0 v3, v7  }
0x184: {  	v4 =	vperm.xlane @!p0 v3, v4;
	_ =	sdelay $0x1  }
0x185: {  	v4 =	vadd.s32 @!p0 v6, v4;
	_ =	sdelay $0x3  }
0x186: {  	s19 =	simm.s32 @!p0 $0x6400;
	v3 =	vperm.xlane @!p0 v3, v5  }
0x187: {  	[tilespmem:s19], [sflag:$0x3] =	stream.indirect_vreg.gather @!p0 [hbm4b:s1+s18], $0x80, v4, vm1, $0xb8;
	[tilespmem:$0x18400] =	vst v63  }
0x188: {  	v3 =	vadd.s32 @!p0 v6, v3;
	s19 =	simm.s32 @!p0 $0x6C00  }
0x189: {  	[tilespmem:s19], [sflag:$0x3] =	stream.indirect_vreg.gather @!p0 [hbm4b:s5+s18], $0x80, v4, vm1, $0xb8;
	[tilespmem:$0x18400] =	vst v63  }
0x18a: {  	s19 =	simm.s32 @!p0 $0x7400  }
0x18b: {  	[tilespmem:s19], [sflag:$0x3] =	stream.indirect_vreg.gather @!p0 [hbm4b:s6+s18], $0x80, v4, vm1, $0xb8;
	[tilespmem:$0x18400] =	vst v63  }
0x18c: {  	s19 =	simm.s32 @!p0 $0x7C00  }
0x18d: {  	[tilespmem:s19], [sflag:$0x3] =	stream.indirect_vreg.gather @!p0 [hbm4b:s1+s18], $0x80, v3, vm1, $0xb8;
	[tilespmem:$0x18400] =	vst v63  }
0x18e: {  	s19 =	simm.s32 @!p0 $0x8400  }
0x18f: {  	[tilespmem:s19], [sflag:$0x3] =	stream.indirect_vreg.gather @!p0 [hbm4b:s5+s18], $0x80, v3, vm1, $0xb8;
	[tilespmem:$0x18400] =	vst v63  }
0x190: {  	s19 =	simm.s32 @!p0 $0x8C00  }
0x191: {  	[tilespmem:s19], [sflag:$0x3] =	stream.indirect_vreg.gather @!p0 [hbm4b:s6+s18], $0x80, v3, vm1, $0xb8;
	[tilespmem:$0x18400] =	vst v63  }
.Ltmp2:
0x192: {  	_ = 	snop;
	(pc) =	sbr.rel @p0 .LBB2_4-.Ltmp2, $4  }
0x193: {  	_ =	swait.ge [sflag:s7], $0x3000  }
0x194: {  	[sflag:s7] =	ssyncset.done $0x0  }
0x195: {  	s22 =	sadd.s32 s17, s12;
	[sflag:s7] =	ssyncadd.s32 $0xFFFFD000  }
0x196: {  	[hbm4b:s22+s2] =	stream.linear.scatter [tilespmem:s24], [sflag:$0x10], $0x3000, $0x38;
	[tilespmem:$0x18400] =	vst v63  }
0x197: {  	_ =	swait.ge [sflag:s15], $0x3000  }
0x198: {  	[sflag:s15] =	ssyncset.done $0x0  }
0x199: {  	[sflag:s15] =	ssyncadd.s32 $0xFFFFD000  }
0x19a: {  	v3 =	vld [tilespmem:s16+$0x50];
	_ =	sdelay $0x4  }
0x19b: {  	v4 =	vshrl.u32 v3, $0x3  }
0x19c: {  	v4 =	vmul.u32 $0x30, v4  }
0x19d: {  	v3 =	vand.u32 $0x7, v3  }
0x19e: {  	v3 =	vor.u32 v3, v4  }
0x19f: {  	v4 =	vperm.xlane v3, v0;
	_ =	sdelay $0x1  }
0x1a0: {  	v4 =	vadd.s32 v1, v4;
	_ =	sdelay $0x3  }
0x1a1: {  	v3 =	vperm.xlane v3, v2  }
0x1a2: {  	[tilespmem:s14], [sflag:$0x4] =	stream.indirect_vreg.gather [hbm4b:s1+s2], $0x80, v4, vm0, $0xb8;
	[tilespmem:$0x18400] =	vst v63  }
0x1a3: {  	s18 =	simm.s32 $0x9C00;
	v3 =	vadd.s32 v1, v3  }
0x1a4: {  	[tilespmem:s18], [sflag:$0x4] =	stream.indirect_vreg.gather [hbm4b:s5+s2], $0x80, v4, vm0, $0xb8;
	[tilespmem:$0x18400] =	vst v63  }
0x1a5: {  	s22 =	simm.s32 $0xA400  }
0x1a6: {  	[tilespmem:s22], [sflag:$0x4] =	stream.indirect_vreg.gather [hbm4b:s6+s2], $0x80, v4, vm0, $0xb8;
	[tilespmem:$0x18400] =	vst v63  }
0x1a7: {  	s19 =	simm.s32 $0xAC00  }
0x1a8: {  	[tilespmem:s19], [sflag:$0x4] =	stream.indirect_vreg.gather [hbm4b:s1+s2], $0x80, v3, vm0, $0xb8;
	[tilespmem:$0x18400] =	vst v63  }
.Ltmp3:
0x1a9: {  	_ = 	snop;
	(pc) =	sbr.rel .LBB2_2-.Ltmp3, $4  }
0x1aa: {  	s22 =	simm.s32 $0xB400  }
0x1ab: {  	[tilespmem:s22], [sflag:$0x4] =	stream.indirect_vreg.gather [hbm4b:s5+s2], $0x80, v3, vm0, $0xb8;
	[tilespmem:$0x18400] =	vst v63  }
0x1ac: {  	s17 =	sadd.s32 $0x3000, s17;
	s16 =	sadd.s32 $0x80, s16  }
0x1ad: {  	[tilespmem:s21], [sflag:$0x4] =	stream.indirect_vreg.gather [hbm4b:s6+s2], $0x80, v3, vm0, $0xb8;
	[tilespmem:$0x18400] =	vst v63  }
.LBB2_5:
0x1ae: {  	_ =	sfence.sel $0x180000  }
0x1af: {  	[bflag:$0x0] =	sbarrier.arrive $0xFFFF  }
0x1b0: {  	_ =	strace $0x90000047  }
0x1b1: {  	s0 =	stileid.u32;
	[bflag:$0x2] =	sbarrier.arrive $0xFFFF  }
0x1b2: {  	p0 =	sne.s32 s0, $0x0;
	s0 =	rddreg [dreg:$0x3]  }
0x1b3: {  	s0 =	sadd.s32 @!p0 $0x100000, s0  }
0x1b4: {  	[sflag:s0] =	ssyncadd.tile.s32 @!p0 $0x1;
	_ =	shalt  }
.Lfunc_end2:
_tile_overlayer_lowered:
.L_overlay_start_2:
0x1b5: {  	(tag) =	ssettag $0x2  }
0x1b6: {  	s0 =	rddreg [dreg:$0x0];
	s2 =	stileid.u32  }
0x1b7: {  	s1 =	rddreg [dreg:$0x1];
	p0 =	sne.s32 s2, $0x0  }
0x1b8: {  	s3 =	rddreg [dreg:$0x2];
	[bflag:$0x3] =	sbarrier.arrive $0xFFFF;
	s2 =	simm.s32 @!p0 $0x1C11  }
0x1b9: {  	[timem:s3], [sflag:s2] =	dma.local @!p0 [hbm:s0], s1  }
0x1ba: {  	s0 =	simm.s32 @!p0 $0x11  }
0x1bb: {  	_ =	swait.ge @!p0 [sflag:s0], s1  }
0x1bc: {  	s1 =	ssub.s32 @!p0 $0x0, s1;
	[sflag:s0] =	ssyncset.done @!p0 $0x0  }
0x1bd: {  	[sflag:s0] =	ssyncadd.s32 @!p0 s1  }
0x1be: {  	[bflag:$0x3] =	sbarrier.arrive $0xFFFF  }
0x1bf: {  	_ =	shalt  }

</sc_bundles>
